<compile_context>
chip_gen: v7x
topology: tpu7x:2x2x1
jax: 0.10.2.dev20260603
libtpu: 0.0.44.dev20260713+nightly
codegen_flags: <defaults>
</compile_context>

<pallas_src>
import functools

import jax
import jax.numpy as jnp
from jax import lax
from jax.experimental import pallas as pl
from jax.experimental.pallas import tpu as pltpu
from jax.experimental.pallas import tpu_sc as plsc

_N = 10000
_NPAD = 10240
_E = 320000
_NC = 2
_NS = 16
_NW = _NC * _NS
_EPW = _E // _NW
_UNROLL = 5
_GB = 16
_GN = _NW // _GB


def _leaky(x, s):
    return jnp.where(x > 0, x, s * x)



def _bn_leaky(z, g, b, slope):
    ones = jnp.ones((1, _N), jnp.float32)
    s1 = jnp.dot(ones, z, preferred_element_type=jnp.float32)
    s2 = jnp.dot(ones, z * z, preferred_element_type=jnp.float32)
    m = s1 * (1.0 / _N)
    v = s2 * (1.0 / _N) - m * m
    return _leaky((z - m) / jnp.sqrt(v + 1e-5) * g + b, slope)


def _scoring_body(emb, W1, b1, g1, be1, W2, b2, g2, be2, W3, b3, out):
    x = emb[...]
    z = jnp.dot(x, W1[...], preferred_element_type=jnp.float32) + b1[...]
    h = _bn_leaky(z, g1[...], be1[...], 0.2)
    z = jnp.dot(h, W2[...], preferred_element_type=jnp.float32) + b2[...]
    h = _bn_leaky(z, g2[...], be2[...], 0.2)
    s = jnp.dot(h, W3[...], preferred_element_type=jnp.float32) + b3[...]
    srow = s.T
    esrow = jnp.exp(srow)
    zpad = jnp.zeros((1, _NPAD - _N), jnp.float32)
    out[:, 0:_N] = srow
    out[:, _N:_NPAD] = zpad
    out[:, _NPAD:_NPAD + _N] = esrow
    out[:, _NPAD + _N:2 * _NPAD] = zpad
    out[:, 2 * _NPAD:2 * _NPAD + _N] = esrow * srow
    out[:, 2 * _NPAD + _N:3 * _NPAD] = zpad


def _scoring(emb, W1, b1, g1, be1, W2, b2, g2, be2, W3, b3):
    return pl.pallas_call(
        _scoring_body,
        out_shape=jax.ShapeDtypeStruct((1, 3 * _NPAD), jnp.float32),
    )(emb, W1, b1, g1, be1, W2, b2, g2, be2, W3, b3)



def _edge_body(with_deg, tab_hbm, src_hbm, dst_hbm, w_hbm, out_hbm,
               tab_v, src_v, dst_v, w_v, sems, *accs):
    cid = lax.axis_index("c")
    sid = lax.axis_index("s")
    wid = sid * _NC + cid
    base = wid * _EPW

    c0 = pltpu.make_async_copy(tab_hbm.at[pl.ds(_NPAD, 2 * _NPAD)], tab_v,
                               sems.at[0])
    c1 = pltpu.make_async_copy(src_hbm.at[pl.ds(base, _EPW)], src_v,
                               sems.at[1])
    c2 = pltpu.make_async_copy(dst_hbm.at[pl.ds(base, _EPW)], dst_v,
                               sems.at[2])
    c3 = pltpu.make_async_copy(w_hbm.at[pl.ds(base, _EPW)], w_v, sems.at[3])
    c0.start()
    c1.start()
    c2.start()
    c3.start()

    zero16 = jnp.zeros((16,), jnp.float32)

    def zbody(i, _):
        o = i * 64
        for j in range(4):
            for a in accs:
                a[pl.ds(o + j * 16, 16)] = zero16
        return 0

    lax.fori_loop(0, _NPAD // 64, zbody, 0)

    c0.wait()
    c1.wait()
    c2.wait()
    c3.wait()

    ones16 = jnp.ones((16,), jnp.float32)

    @plsc.parallel_loop(0, _EPW // 16, step=1, unroll=_UNROLL)
    def _eloop(i):
        o = i * 16
        isrc = src_v[pl.ds(o, 16)]
        idst = dst_v[pl.ds(o, 16)]
        wv = w_v[pl.ds(o, 16)]
        es_s = plsc.load_gather(tab_v, [isrc])
        t_s = plsc.load_gather(tab_v, [isrc + _NPAD])
        es_d = plsc.load_gather(tab_v, [idst])
        t_d = plsc.load_gather(tab_v, [idst + _NPAD])
        plsc.addupdate_scatter(accs[0], [idst], es_s)
        plsc.addupdate_scatter(accs[1], [idst], wv * t_s)
        plsc.addupdate_scatter(accs[2], [isrc], es_d)
        plsc.addupdate_scatter(accs[3], [isrc], wv * t_d)
        if with_deg:
            plsc.addupdate_scatter(accs[4], [idst], ones16)

    nq = len(accs)
    outcopies = [
        pltpu.make_async_copy(
            a, out_hbm.at[pl.ds((wid * nq + q) * _NPAD, _NPAD)], sems.at[q])
        for q, a in enumerate(accs)
    ]
    for c in outcopies:
        c.start()
    for c in outcopies:
        c.wait()


@functools.lru_cache(maxsize=None)
def _make_edge(with_deg):
    nq = 5 if with_deg else 4
    scratch = [
        pltpu.VMEM((2 * _NPAD,), jnp.float32),
        pltpu.VMEM((_EPW,), jnp.int32),
        pltpu.VMEM((_EPW,), jnp.int32),
        pltpu.VMEM((_EPW,), jnp.float32),
        pltpu.SemaphoreType.DMA((5,)),
    ] + [pltpu.VMEM((_NPAD,), jnp.float32) for _ in range(nq)]
    return pl.kernel(
        functools.partial(_edge_body, with_deg),
        out_type=jax.ShapeDtypeStruct((_NW * nq * _NPAD,), jnp.float32),
        mesh=plsc.VectorSubcoreMesh(core_axis_name="c", subcore_axis_name="s",
                                    num_cores=_NC, num_subcores=_NS),
        scratch_types=scratch,
        compiler_params=pltpu.CompilerParams(needs_layout_passes=False),
    )


def _edge_deg(*args):
    return _make_edge(True)(*args)


def _edge_nodeg(*args):
    return _make_edge(False)(*args)



def _node_body(alpha, final, parts_ref, s3_ref, orig3_ref,
               U1_ref, ub1_ref, ug_ref, ube_ref, U2_ref, ub2_ref, U3_ref,
               ub3_ref, *rest):
    nq = 4 if final else 5
    if final:
        scal_ref, deg_ref, out_ref, acc_ref = rest
    else:
        out_ref, deg_out_ref, acc_ref = rest

    g = pl.program_id(0)
    chunk = parts_ref[0:nq * _NPAD]
    for k in range(1, _GB):
        chunk = chunk + parts_ref[k * nq * _NPAD:(k + 1) * nq * _NPAD]

    @pl.when(g == 0)
    def _():
        acc_ref[...] = chunk

    @pl.when(g > 0)
    def _():
        acc_ref[...] = acc_ref[...] + chunk

    @pl.when(g == _GN - 1)
    def _():
        acc = acc_ref[...]

        def plane(q):
            return acc[q * _NPAD:(q + 1) * _NPAD].reshape(1, _NPAD)

        den_in = plane(0)
        num_in = plane(1)
        den_out = plane(2)
        num_out = plane(3)
        s_in = num_in / jnp.maximum(den_in, 1e-20)
        s_out = num_out / jnp.maximum(den_out, 1e-20)
        s = s3_ref[:, 0:_NPAD]

        mask = (lax.broadcasted_iota(jnp.int32, (1, _NPAD), 1) < _N).astype(
            jnp.float32)

        U1T = U1_ref[...].T
        ub1 = ub1_ref[...].reshape(-1, 1)
        ug = ug_ref[...].reshape(-1, 1)
        ube = ube_ref[...].reshape(-1, 1)
        U2T = U2_ref[...].T
        ub2 = ub2_ref[...].reshape(-1, 1)
        U3T = U3_ref[...].T
        ub3 = ub3_ref[...].reshape(1, 1)

        u1 = (U1T[:, 0:1] * s + U1T[:, 1:2] * s_in
              + U1T[:, 2:3] * s_out + ub1)
        u1 = u1 * mask
        m = jnp.sum(u1, axis=1, keepdims=True) * (1.0 / _N)
        v = jnp.sum(u1 * u1, axis=1, keepdims=True) * (1.0 / _N) - m * m
        h = _leaky((u1 - m) / jnp.sqrt(v + 1e-5) * ug + ube, 0.1)
        u2 = _leaky(
            jnp.dot(U2T, h, preferred_element_type=jnp.float32) + ub2, 0.1)
        u3 = jax.nn.sigmoid(
            jnp.dot(U3T, u2, preferred_element_type=jnp.float32) + ub3)
        orig = orig3_ref[:, 0:_NPAD]
        sn = alpha * u3 + (1.0 - alpha) * orig

        if not final:
            es = jnp.exp(sn)
            out_ref[:, 0:_NPAD] = sn
            out_ref[:, _NPAD:2 * _NPAD] = es
            out_ref[:, 2 * _NPAD:3 * _NPAD] = es * sn
            deg_out_ref[...] = plane(4)
        else:
            scal = scal_ref[...]
            gamma_p = scal[0, 0]
            beta_p = scal[0, 1]
            cscale = scal[0, 2]
            mixraw = scal[0, 3]
            deg = deg_ref[...]
            c_v = jnp.log(deg * cscale + 1e-6)
            c_smooth = 5.0 * jnp.tanh((gamma_p * c_v + beta_p) * 0.2)
            mix = jax.nn.sigmoid(mixraw)
            fin = (mix * (sn * jax.nn.sigmoid(c_smooth))
                   + (1.0 - mix) * sn)
            out_ref[...] = fin[:, 0:_N]


def _full2d(shape):
    return pl.BlockSpec(shape, lambda w: (0, 0))


def _node_first(parts, s3, orig3, U1l, ub1l, ugl, ubel, U2l, ub2l, U3l,
                ub3l):
    nq = 5
    return pl.pallas_call(
        functools.partial(_node_body, 0.8, False),
        grid=(_GN,),
        in_specs=[
            pl.BlockSpec((_GB * nq * _NPAD,), lambda w: (w,)),
            _full2d((1, 3 * _NPAD)),
            _full2d((1, 3 * _NPAD)),
            pl.BlockSpec((3, 24), lambda w: (0, 0)),
            pl.BlockSpec((24,), lambda w: (0,)),
            pl.BlockSpec((24,), lambda w: (0,)),
            pl.BlockSpec((24,), lambda w: (0,)),
            pl.BlockSpec((24, 12), lambda w: (0, 0)),
            pl.BlockSpec((12,), lambda w: (0,)),
            pl.BlockSpec((12, 1), lambda w: (0, 0)),
            pl.BlockSpec((1,), lambda w: (0,)),
        ],
        out_specs=(_full2d((1, 3 * _NPAD)), _full2d((1, _NPAD))),
        out_shape=(
            jax.ShapeDtypeStruct((1, 3 * _NPAD), jnp.float32),
            jax.ShapeDtypeStruct((1, _NPAD), jnp.float32),
        ),
        scratch_shapes=[pltpu.VMEM((nq * _NPAD,), jnp.float32)],
    )(parts, s3, orig3, U1l, ub1l, ugl, ubel, U2l, ub2l, U3l, ub3l)


def _node_final(parts, s3, orig3, U1l, ub1l, ugl, ubel, U2l, ub2l, U3l,
                ub3l, scal, deg_row):
    nq = 4
    return pl.pallas_call(
        functools.partial(_node_body, 0.9, True),
        grid=(_GN,),
        in_specs=[
            pl.BlockSpec((_GB * nq * _NPAD,), lambda w: (w,)),
            _full2d((1, 3 * _NPAD)),
            _full2d((1, 3 * _NPAD)),
            pl.BlockSpec((3, 24), lambda w: (0, 0)),
            pl.BlockSpec((24,), lambda w: (0,)),
            pl.BlockSpec((24,), lambda w: (0,)),
            pl.BlockSpec((24,), lambda w: (0,)),
            pl.BlockSpec((24, 12), lambda w: (0, 0)),
            pl.BlockSpec((12,), lambda w: (0,)),
            pl.BlockSpec((12, 1), lambda w: (0, 0)),
            pl.BlockSpec((1,), lambda w: (0,)),
            _full2d((1, 4)),
            _full2d((1, _NPAD)),
        ],
        out_specs=_full2d((1, _N)),
        out_shape=jax.ShapeDtypeStruct((1, _N), jnp.float32),
        scratch_shapes=[pltpu.VMEM((nq * _NPAD,), jnp.float32)],
    )(parts, s3, orig3, U1l, ub1l, ugl, ubel, U2l, ub2l, U3l, ub3l,
      scal, deg_row)



def kernel(embeddings, edge_index, edge_weight, W1, b1, g1, be1, W2, b2, g2,
           be2, W3, b3, U1, ub1, ug, ube, U2, ub2, U3, ub3, gamma_p, beta_p,
           cscale, mixraw):
    src = edge_index[0]
    dst = edge_index[1]

    s3 = _scoring(embeddings, W1, b1, g1, be1, W2, b2, g2, be2, W3, b3)

    scal = jnp.stack([gamma_p, beta_p, cscale, mixraw]).reshape(1, 4)

    def layer_args(l):
        return (U1[l], ub1[l], ug[l], ube[l], U2[l], ub2[l], U3[l], ub3[l])

    parts0 = _edge_deg(s3.reshape(3 * _NPAD), src, dst, edge_weight)
    s3n, deg_row = _node_first(parts0, s3, s3, *layer_args(0))

    parts1 = _edge_nodeg(s3n.reshape(3 * _NPAD), src, dst, edge_weight)
    fin = _node_final(parts1, s3n, s3, *layer_args(1), scal, deg_row)

    return fin.reshape(_N)

# --- scband reference (transcript-rebuilt; emitter-appended) ---
"""Pipeline reference for scband-gkcimodel-12506944766111 (READ-ONLY COPY).

The authoritative reference and input builder live on the scoring server;
editing this copy changes nothing except your own understanding.
"""

import jax, jax.numpy as jnp
import numpy as np

N = 10000
E = 320000
D = 128
L = 2

def _bn(x, g, b):
    m = jnp.mean(x, axis=0)
    v = jnp.var(x, axis=0)
    return (x - m) / jnp.sqrt(v + 1e-5) * g + b

def _leaky(x, s):
    return jnp.where(x > 0, x, s * x)

def _seg_softmax_agg(scores, nbr, seg, w, n):
    # attention-weighted aggregation of neighbor scores, grouped by seg
    s_e = jnp.take(scores, nbr, axis=0)
    m = jax.ops.segment_max(s_e, seg, num_segments=n)
    m = jnp.where(jnp.isfinite(m), m, 0.0)
    ex = jnp.exp(s_e - jnp.take(m, seg, axis=0))
    den = jax.ops.segment_sum(ex, seg, num_segments=n)
    att = ex / jnp.maximum(jnp.take(den, seg, axis=0), 1e-20)
    return jax.ops.segment_sum(att * w * s_e, seg, num_segments=n)

def setup_inputs(seed: int = 0):
    key = jax.random.key(seed)
    ks = jax.random.split(key, 16)
    inp = {}
    inp["embeddings"] = jax.random.normal(ks[0], (N, D), dtype=jnp.float32)
    inp["edge_index"] = jax.random.randint(ks[1], (2, E), 0, N, dtype=jnp.int32)
    inp["edge_weight"] = jax.random.uniform(ks[2], (E,), dtype=jnp.float32)
    inp["W1"] = jax.random.normal(ks[3], (D, 64), dtype=jnp.float32) * 0.05
    inp["b1"] = jnp.zeros((64,), dtype=jnp.float32)
    inp["g1"] = jnp.ones((64,), dtype=jnp.float32)
    inp["be1"] = jnp.zeros((64,), dtype=jnp.float32)
    inp["W2"] = jax.random.normal(ks[4], (64, 32), dtype=jnp.float32) * 0.08
    inp["b2"] = jnp.zeros((32,), dtype=jnp.float32)
    inp["g2"] = jnp.ones((32,), dtype=jnp.float32)
    inp["be2"] = jnp.zeros((32,), dtype=jnp.float32)
    inp["W3"] = jax.random.normal(ks[5], (32, 1), dtype=jnp.float32) * 0.1
    inp["b3"] = jnp.zeros((1,), dtype=jnp.float32)
    inp["U1"] = jax.random.normal(ks[6], (L, 3, 24), dtype=jnp.float32) * 0.3
    inp["ub1"] = jnp.zeros((L, 24), dtype=jnp.float32)
    inp["ug"] = jnp.ones((L, 24), dtype=jnp.float32)
    inp["ube"] = jnp.zeros((L, 24), dtype=jnp.float32)
    inp["U2"] = jax.random.normal(ks[7], (L, 24, 12), dtype=jnp.float32) * 0.2
    inp["ub2"] = jnp.zeros((L, 12), dtype=jnp.float32)
    inp["U3"] = jax.random.normal(ks[8], (L, 12, 1), dtype=jnp.float32) * 0.2
    inp["ub3"] = jnp.zeros((L, 1), dtype=jnp.float32)
    inp["gamma_p"] = jnp.float32(6.2395)
    inp["beta_p"] = jnp.float32(-13.8278)
    inp["cscale"] = jnp.float32(1.0)
    inp["mixraw"] = jnp.float32(0.0)
    return inp

def reference(embeddings, edge_index, edge_weight, W1, b1, g1, be1, W2, b2, g2, be2, W3, b3, U1, ub1, ug, ube, U2, ub2, U3, ub3, gamma_p, beta_p, cscale, mixraw):
    src = edge_index[0]
    dst = edge_index[1]
    # ScoringNet (training-mode BatchNorm, dropout disabled for determinism)
    h = _leaky(_bn(embeddings @ W1 + b1, g1, be1), 0.2)
    h = _leaky(_bn(h @ W2 + b2, g2, be2), 0.2)
    scores = (h @ W3 + b3).reshape(-1)
    orig = scores
    for l in range(L):
        # s_in: softmax-attention over predecessors (edges grouped by dst)
        s_in = _seg_softmax_agg(scores, src, dst, edge_weight, N)
        # s_out: softmax-attention over successors (edges grouped by src)
        s_out = _seg_softmax_agg(scores, dst, src, edge_weight, N)
        combined = jnp.stack([scores, s_in, s_out], axis=1)
        u = _leaky(_bn(combined @ U1[l] + ub1[l], ug[l], ube[l]), 0.1)
        u = _leaky(u @ U2[l] + ub2[l], 0.1)
        u = jax.nn.sigmoid(u @ U3[l] + ub3[l]).reshape(-1)
        alpha = 0.7 + 0.2 * (l + 1) / L
        scores = alpha * u + (1.0 - alpha) * orig
    deg = jnp.bincount(dst, length=N).astype(jnp.float32)
    c_v = jnp.log(deg * cscale + 1e-6)
    c_star = gamma_p * c_v + beta_p
    c_smooth = 5.0 * jnp.tanh(c_star / 5.0)
    mix = jax.nn.sigmoid(mixraw)
    final = mix * (scores * jax.nn.sigmoid(c_smooth)) + (1.0 - mix) * scores
    return final

if __name__ == "__main__":
    import jax
    _d = setup_inputs()
    print(jax.jit(kernel)(*tuple(_d.values())))

</pallas_src>

<mosaic_0001>
#map = affine_map<(d0, d1) -> (0)>
module attributes {stable_mosaic.version = 14 : i64} {
  func.func @_edge_body(%arg0: i32, %arg1: i32, %arg2: memref<30720xf32, #tpu.memory_space<hbm>>, %arg3: memref<320000xi32, #tpu.memory_space<hbm>>, %arg4: memref<320000xi32, #tpu.memory_space<hbm>>, %arg5: memref<320000xf32, #tpu.memory_space<hbm>>, %arg6: memref<1638400xf32, #tpu.memory_space<hbm>>, %arg7: memref<20480xf32, #tpu.memory_space<vmem>>, %arg8: memref<10000xi32, #tpu.memory_space<vmem>>, %arg9: memref<10000xi32, #tpu.memory_space<vmem>>, %arg10: memref<10000xf32, #tpu.memory_space<vmem>>, %arg11: memref<5x!tpu.dma_semaphore, #tpu.memory_space<semaphore_mem>>, %arg12: memref<10240xf32, #tpu.memory_space<vmem>>, %arg13: memref<10240xf32, #tpu.memory_space<vmem>>, %arg14: memref<10240xf32, #tpu.memory_space<vmem>>, %arg15: memref<10240xf32, #tpu.memory_space<vmem>>, %arg16: memref<10240xf32, #tpu.memory_space<vmem>>) attributes {dimension_semantics = [#tpu.dimension_semantics<core_parallel>, #tpu.dimension_semantics<subcore_parallel>], iteration_bounds = array<i64: 2, 16>, scalar_prefetch = 0 : i64, scratch_operands = 10 : i64, tpu.core_type = #tpu.core_type<sc_vector_subcore>, window_params = [{transform_indices = #map}, {transform_indices = #map}, {transform_indices = #map}, {transform_indices = #map}, {transform_indices = #map}]} {
    %mul3A = arith.constant 2 : i32
    %mul3A_0 = arith.muli %arg1, %mul3A : i32
    %add3A = arith.addi %mul3A_0, %arg0 : i32
    %mul3A_1 = arith.constant 10000 : i32
    %mul3A_2 = arith.muli %add3A, %mul3A_1 : i32
    %dma_start3A = arith.constant 0 : i32
    %dma_start3A_3 = arith.constant 10240 : i32
    %dma_start3A_4 = tpu.memref_slice %arg2[%dma_start3A_3] : memref<30720xf32, #tpu.memory_space<hbm>> -> memref<20480xf32, #tpu.memory_space<hbm>>
    %dma_start3A_5 = tpu.memref_slice %arg11[%dma_start3A] : memref<5x!tpu.dma_semaphore, #tpu.memory_space<semaphore_mem>> -> memref<1x!tpu.dma_semaphore, #tpu.memory_space<semaphore_mem>>
    %dma_start3A_6 = tpu.memref_squeeze %dma_start3A_5 : memref<1x!tpu.dma_semaphore, #tpu.memory_space<semaphore_mem>> -> memref<!tpu.dma_semaphore, #tpu.memory_space<semaphore_mem>>
    %dma_start3A_7 = arith.constant 10240 : i32
    %dma_start3A_8 = tpu.memref_slice %arg2[%dma_start3A_7] : memref<30720xf32, #tpu.memory_space<hbm>> -> memref<20480xf32, #tpu.memory_space<hbm>>
    tpu.enqueue_dma source(%dma_start3A_8 : memref<20480xf32, #tpu.memory_space<hbm>>) target(%arg7 : memref<20480xf32, #tpu.memory_space<vmem>>) target_semaphore(%dma_start3A_6 : memref<!tpu.dma_semaphore, #tpu.memory_space<semaphore_mem>>)
    %dma_start3A_9 = arith.constant 1 : i32
    %dma_start3A_10 = tpu.memref_slice %arg3[%mul3A_2] : memref<320000xi32, #tpu.memory_space<hbm>> -> memref<10000xi32, #tpu.memory_space<hbm>>
    %dma_start3A_11 = tpu.memref_slice %arg11[%dma_start3A_9] : memref<5x!tpu.dma_semaphore, #tpu.memory_space<semaphore_mem>> -> memref<1x!tpu.dma_semaphore, #tpu.memory_space<semaphore_mem>>
    %dma_start3A_12 = tpu.memref_squeeze %dma_start3A_11 : memref<1x!tpu.dma_semaphore, #tpu.memory_space<semaphore_mem>> -> memref<!tpu.dma_semaphore, #tpu.memory_space<semaphore_mem>>
    %dma_start3A_13 = tpu.memref_slice %arg3[%mul3A_2] : memref<320000xi32, #tpu.memory_space<hbm>> -> memref<10000xi32, #tpu.memory_space<hbm>>
    tpu.enqueue_dma source(%dma_start3A_13 : memref<10000xi32, #tpu.memory_space<hbm>>) target(%arg8 : memref<10000xi32, #tpu.memory_space<vmem>>) target_semaphore(%dma_start3A_12 : memref<!tpu.dma_semaphore, #tpu.memory_space<semaphore_mem>>)
    %dma_start3A_14 = arith.constant 2 : i32
    %dma_start3A_15 = tpu.memref_slice %arg4[%mul3A_2] : memref<320000xi32, #tpu.memory_space<hbm>> -> memref<10000xi32, #tpu.memory_space<hbm>>
    %dma_start3A_16 = tpu.memref_slice %arg11[%dma_start3A_14] : memref<5x!tpu.dma_semaphore, #tpu.memory_space<semaphore_mem>> -> memref<1x!tpu.dma_semaphore, #tpu.memory_space<semaphore_mem>>
    %dma_start3A_17 = tpu.memref_squeeze %dma_start3A_16 : memref<1x!tpu.dma_semaphore, #tpu.memory_space<semaphore_mem>> -> memref<!tpu.dma_semaphore, #tpu.memory_space<semaphore_mem>>
    %dma_start3A_18 = tpu.memref_slice %arg4[%mul3A_2] : memref<320000xi32, #tpu.memory_space<hbm>> -> memref<10000xi32, #tpu.memory_space<hbm>>
    tpu.enqueue_dma source(%dma_start3A_18 : memref<10000xi32, #tpu.memory_space<hbm>>) target(%arg9 : memref<10000xi32, #tpu.memory_space<vmem>>) target_semaphore(%dma_start3A_17 : memref<!tpu.dma_semaphore, #tpu.memory_space<semaphore_mem>>)
    %dma_start3A_19 = arith.constant 3 : i32
    %dma_start3A_20 = tpu.memref_slice %arg5[%mul3A_2] : memref<320000xf32, #tpu.memory_space<hbm>> -> memref<10000xf32, #tpu.memory_space<hbm>>
    %dma_start3A_21 = tpu.memref_slice %arg11[%dma_start3A_19] : memref<5x!tpu.dma_semaphore, #tpu.memory_space<semaphore_mem>> -> memref<1x!tpu.dma_semaphore, #tpu.memory_space<semaphore_mem>>
    %dma_start3A_22 = tpu.memref_squeeze %dma_start3A_21 : memref<1x!tpu.dma_semaphore, #tpu.memory_space<semaphore_mem>> -> memref<!tpu.dma_semaphore, #tpu.memory_space<semaphore_mem>>
    %dma_start3A_23 = tpu.memref_slice %arg5[%mul3A_2] : memref<320000xf32, #tpu.memory_space<hbm>> -> memref<10000xf32, #tpu.memory_space<hbm>>
    tpu.enqueue_dma source(%dma_start3A_23 : memref<10000xf32, #tpu.memory_space<hbm>>) target(%arg10 : memref<10000xf32, #tpu.memory_space<vmem>>) target_semaphore(%dma_start3A_22 : memref<!tpu.dma_semaphore, #tpu.memory_space<semaphore_mem>>)
    %broadcast_in_dim3A = arith.constant 0.000000e+00 : f32
    %broadcast_in_dim3A_24 = vector.broadcast %broadcast_in_dim3A : f32 to vector<16xf32>
    %scan3A = arith.constant 0 : i32
    %scan3A_25 = arith.constant 0 : i32
    %scan3A_26 = arith.constant 160 : i32
    %scan3A_27 = arith.addi %scan3A_25, %scan3A_26 : i32
    %scan3A_28 = arith.constant 1 : i32
    %scan3A_29 = scf.for %scan3A_136 = %scan3A_25 to %scan3A_27 step %scan3A_28 iter_args(%scan3A_137 = %scan3A) -> (i32)  : i32 {
      %mul3A_138 = arith.constant 64 : i32
      %mul3A_139 = arith.muli %scan3A_136, %mul3A_138 : i32
      %add3A_140 = arith.constant 0 : i32
      %add3A_141 = arith.addi %mul3A_139, %add3A_140 : i32
      %swap3A = arith.index_cast %add3A_141 : i32 to index
      %swap3A_142 = tpu.vector_load %arg12[%swap3A] {strides = array<i32>} : memref<10240xf32, #tpu.memory_space<vmem>>, vector<16xf32>,
      tpu.vector_store %arg12[%swap3A], %broadcast_in_dim3A_24 {strides = array<i32>} : memref<10240xf32, #tpu.memory_space<vmem>>, vector<16xf32>,
      %add3A_143 = arith.constant 0 : i32
      %add3A_144 = arith.addi %mul3A_139, %add3A_143 : i32
      %swap3A_145 = arith.index_cast %add3A_144 : i32 to index
      %swap3A_146 = tpu.vector_load %arg13[%swap3A_145] {strides = array<i32>} : memref<10240xf32, #tpu.memory_space<vmem>>, vector<16xf32>,
      tpu.vector_store %arg13[%swap3A_145], %broadcast_in_dim3A_24 {strides = array<i32>} : memref<10240xf32, #tpu.memory_space<vmem>>, vector<16xf32>,
      %add3A_147 = arith.constant 0 : i32
      %add3A_148 = arith.addi %mul3A_139, %add3A_147 : i32
      %swap3A_149 = arith.index_cast %add3A_148 : i32 to index
      %swap3A_150 = tpu.vector_load %arg14[%swap3A_149] {strides = array<i32>} : memref<10240xf32, #tpu.memory_space<vmem>>, vector<16xf32>,
      tpu.vector_store %arg14[%swap3A_149], %broadcast_in_dim3A_24 {strides = array<i32>} : memref<10240xf32, #tpu.memory_space<vmem>>, vector<16xf32>,
      %add3A_151 = arith.constant 0 : i32
      %add3A_152 = arith.addi %mul3A_139, %add3A_151 : i32
      %swap3A_153 = arith.index_cast %add3A_152 : i32 to index
      %swap3A_154 = tpu.vector_load %arg15[%swap3A_153] {strides = array<i32>} : memref<10240xf32, #tpu.memory_space<vmem>>, vector<16xf32>,
      tpu.vector_store %arg15[%swap3A_153], %broadcast_in_dim3A_24 {strides = array<i32>} : memref<10240xf32, #tpu.memory_space<vmem>>, vector<16xf32>,
      %add3A_155 = arith.constant 0 : i32
      %add3A_156 = arith.addi %mul3A_139, %add3A_155 : i32
      %swap3A_157 = arith.index_cast %add3A_156 : i32 to index
      %swap3A_158 = tpu.vector_load %arg16[%swap3A_157] {strides = array<i32>} : memref<10240xf32, #tpu.memory_space<vmem>>, vector<16xf32>,
      tpu.vector_store %arg16[%swap3A_157], %broadcast_in_dim3A_24 {strides = array<i32>} : memref<10240xf32, #tpu.memory_space<vmem>>, vector<16xf32>,
      %add3A_159 = arith.constant 16 : i32
      %add3A_160 = arith.addi %mul3A_139, %add3A_159 : i32
      %swap3A_161 = arith.index_cast %add3A_160 : i32 to index
      %swap3A_162 = tpu.vector_load %arg12[%swap3A_161] {strides = array<i32>} : memref<10240xf32, #tpu.memory_space<vmem>>, vector<16xf32>,
      tpu.vector_store %arg12[%swap3A_161], %broadcast_in_dim3A_24 {strides = array<i32>} : memref<10240xf32, #tpu.memory_space<vmem>>, vector<16xf32>,
      %add3A_163 = arith.constant 16 : i32
      %add3A_164 = arith.addi %mul3A_139, %add3A_163 : i32
      %swap3A_165 = arith.index_cast %add3A_164 : i32 to index
      %swap3A_166 = tpu.vector_load %arg13[%swap3A_165] {strides = array<i32>} : memref<10240xf32, #tpu.memory_space<vmem>>, vector<16xf32>,
      tpu.vector_store %arg13[%swap3A_165], %broadcast_in_dim3A_24 {strides = array<i32>} : memref<10240xf32, #tpu.memory_space<vmem>>, vector<16xf32>,
      %add3A_167 = arith.constant 16 : i32
      %add3A_168 = arith.addi %mul3A_139, %add3A_167 : i32
      %swap3A_169 = arith.index_cast %add3A_168 : i32 to index
      %swap3A_170 = tpu.vector_load %arg14[%swap3A_169] {strides = array<i32>} : memref<10240xf32, #tpu.memory_space<vmem>>, vector<16xf32>,
      tpu.vector_store %arg14[%swap3A_169], %broadcast_in_dim3A_24 {strides = array<i32>} : memref<10240xf32, #tpu.memory_space<vmem>>, vector<16xf32>,
      %add3A_171 = arith.constant 16 : i32
      %add3A_172 = arith.addi %mul3A_139, %add3A_171 : i32
      %swap3A_173 = arith.index_cast %add3A_172 : i32 to index
      %swap3A_174 = tpu.vector_load %arg15[%swap3A_173] {strides = array<i32>} : memref<10240xf32, #tpu.memory_space<vmem>>, vector<16xf32>,
      tpu.vector_store %arg15[%swap3A_173], %broadcast_in_dim3A_24 {strides = array<i32>} : memref<10240xf32, #tpu.memory_space<vmem>>, vector<16xf32>,
      %add3A_175 = arith.constant 16 : i32
      %add3A_176 = arith.addi %mul3A_139, %add3A_175 : i32
      %swap3A_177 = arith.index_cast %add3A_176 : i32 to index
      %swap3A_178 = tpu.vector_load %arg16[%swap3A_177] {strides = array<i32>} : memref<10240xf32, #tpu.memory_space<vmem>>, vector<16xf32>,
      tpu.vector_store %arg16[%swap3A_177], %broadcast_in_dim3A_24 {strides = array<i32>} : memref<10240xf32, #tpu.memory_space<vmem>>, vector<16xf32>,
      %add3A_179 = arith.constant 32 : i32
      %add3A_180 = arith.addi %mul3A_139, %add3A_179 : i32
      %swap3A_181 = arith.index_cast %add3A_180 : i32 to index
      %swap3A_182 = tpu.vector_load %arg12[%swap3A_181] {strides = array<i32>} : memref<10240xf32, #tpu.memory_space<vmem>>, vector<16xf32>,
      tpu.vector_store %arg12[%swap3A_181], %broadcast_in_dim3A_24 {strides = array<i32>} : memref<10240xf32, #tpu.memory_space<vmem>>, vector<16xf32>,
      %add3A_183 = arith.constant 32 : i32
      %add3A_184 = arith.addi %mul3A_139, %add3A_183 : i32
      %swap3A_185 = arith.index_cast %add3A_184 : i32 to index
      %swap3A_186 = tpu.vector_load %arg13[%swap3A_185] {strides = array<i32>} : memref<10240xf32, #tpu.memory_space<vmem>>, vector<16xf32>,
      tpu.vector_store %arg13[%swap3A_185], %broadcast_in_dim3A_24 {strides = array<i32>} : memref<10240xf32, #tpu.memory_space<vmem>>, vector<16xf32>,
      %add3A_187 = arith.constant 32 : i32
      %add3A_188 = arith.addi %mul3A_139, %add3A_187 : i32
      %swap3A_189 = arith.index_cast %add3A_188 : i32 to index
      %swap3A_190 = tpu.vector_load %arg14[%swap3A_189] {strides = array<i32>} : memref<10240xf32, #tpu.memory_space<vmem>>, vector<16xf32>,
      tpu.vector_store %arg14[%swap3A_189], %broadcast_in_dim3A_24 {strides = array<i32>} : memref<10240xf32, #tpu.memory_space<vmem>>, vector<16xf32>,
      %add3A_191 = arith.constant 32 : i32
      %add3A_192 = arith.addi %mul3A_139, %add3A_191 : i32
      %swap3A_193 = arith.index_cast %add3A_192 : i32 to index
      %swap3A_194 = tpu.vector_load %arg15[%swap3A_193] {strides = array<i32>} : memref<10240xf32, #tpu.memory_space<vmem>>, vector<16xf32>,
      tpu.vector_store %arg15[%swap3A_193], %broadcast_in_dim3A_24 {strides = array<i32>} : memref<10240xf32, #tpu.memory_space<vmem>>, vector<16xf32>,
      %add3A_195 = arith.constant 32 : i32
      %add3A_196 = arith.addi %mul3A_139, %add3A_195 : i32
      %swap3A_197 = arith.index_cast %add3A_196 : i32 to index
      %swap3A_198 = tpu.vector_load %arg16[%swap3A_197] {strides = array<i32>} : memref<10240xf32, #tpu.memory_space<vmem>>, vector<16xf32>,
      tpu.vector_store %arg16[%swap3A_197], %broadcast_in_dim3A_24 {strides = array<i32>} : memref<10240xf32, #tpu.memory_space<vmem>>, vector<16xf32>,
      %add3A_199 = arith.constant 48 : i32
      %add3A_200 = arith.addi %mul3A_139, %add3A_199 : i32
      %swap3A_201 = arith.index_cast %add3A_200 : i32 to index
      %swap3A_202 = tpu.vector_load %arg12[%swap3A_201] {strides = array<i32>} : memref<10240xf32, #tpu.memory_space<vmem>>, vector<16xf32>,
      tpu.vector_store %arg12[%swap3A_201], %broadcast_in_dim3A_24 {strides = array<i32>} : memref<10240xf32, #tpu.memory_space<vmem>>, vector<16xf32>,
      %add3A_203 = arith.constant 48 : i32
      %add3A_204 = arith.addi %mul3A_139, %add3A_203 : i32
      %swap3A_205 = arith.index_cast %add3A_204 : i32 to index
      %swap3A_206 = tpu.vector_load %arg13[%swap3A_205] {strides = array<i32>} : memref<10240xf32, #tpu.memory_space<vmem>>, vector<16xf32>,
      tpu.vector_store %arg13[%swap3A_205], %broadcast_in_dim3A_24 {strides = array<i32>} : memref<10240xf32, #tpu.memory_space<vmem>>, vector<16xf32>,
      %add3A_207 = arith.constant 48 : i32
      %add3A_208 = arith.addi %mul3A_139, %add3A_207 : i32
      %swap3A_209 = arith.index_cast %add3A_208 : i32 to index
      %swap3A_210 = tpu.vector_load %arg14[%swap3A_209] {strides = array<i32>} : memref<10240xf32, #tpu.memory_space<vmem>>, vector<16xf32>,
      tpu.vector_store %arg14[%swap3A_209], %broadcast_in_dim3A_24 {strides = array<i32>} : memref<10240xf32, #tpu.memory_space<vmem>>, vector<16xf32>,
      %add3A_211 = arith.constant 48 : i32
      %add3A_212 = arith.addi %mul3A_139, %add3A_211 : i32
      %swap3A_213 = arith.index_cast %add3A_212 : i32 to index
      %swap3A_214 = tpu.vector_load %arg15[%swap3A_213] {strides = array<i32>} : memref<10240xf32, #tpu.memory_space<vmem>>, vector<16xf32>,
      tpu.vector_store %arg15[%swap3A_213], %broadcast_in_dim3A_24 {strides = array<i32>} : memref<10240xf32, #tpu.memory_space<vmem>>, vector<16xf32>,
      %add3A_215 = arith.constant 48 : i32
      %add3A_216 = arith.addi %mul3A_139, %add3A_215 : i32
      %swap3A_217 = arith.index_cast %add3A_216 : i32 to index
      %swap3A_218 = tpu.vector_load %arg16[%swap3A_217] {strides = array<i32>} : memref<10240xf32, #tpu.memory_space<vmem>>, vector<16xf32>,
      tpu.vector_store %arg16[%swap3A_217], %broadcast_in_dim3A_24 {strides = array<i32>} : memref<10240xf32, #tpu.memory_space<vmem>>, vector<16xf32>,
      %scan3A_219 = arith.constant 0 : i32
      scf.yield %scan3A_219 : i32
    }
    %scan3A_30 = arith.constant 160 : i32
    %dma_wait3A = arith.constant 0 : i32
    %dma_wait3A_31 = arith.constant 10240 : i32
    %dma_wait3A_32 = tpu.memref_slice %arg2[%dma_wait3A_31] : memref<30720xf32, #tpu.memory_space<hbm>> -> memref<20480xf32, #tpu.memory_space<hbm>>
    %dma_wait3A_33 = tpu.memref_slice %arg11[%dma_wait3A] : memref<5x!tpu.dma_semaphore, #tpu.memory_space<semaphore_mem>> -> memref<1x!tpu.dma_semaphore, #tpu.memory_space<semaphore_mem>>
    %dma_wait3A_34 = tpu.memref_squeeze %dma_wait3A_33 : memref<1x!tpu.dma_semaphore, #tpu.memory_space<semaphore_mem>> -> memref<!tpu.dma_semaphore, #tpu.memory_space<semaphore_mem>>
    %dma_wait3A_35 = arith.constant 10240 : i32
    %dma_wait3A_36 = tpu.memref_slice %arg2[%dma_wait3A_35] : memref<30720xf32, #tpu.memory_space<hbm>> -> memref<20480xf32, #tpu.memory_space<hbm>>
    tpu.wait_dma2 semaphore(%dma_wait3A_34 : memref<!tpu.dma_semaphore, #tpu.memory_space<semaphore_mem>>) src(%dma_wait3A_36 : memref<20480xf32, #tpu.memory_space<hbm>>) dst(%arg7 : memref<20480xf32, #tpu.memory_space<vmem>>)
    %dma_wait3A_37 = arith.constant 1 : i32
    %dma_wait3A_38 = tpu.memref_slice %arg3[%mul3A_2] : memref<320000xi32, #tpu.memory_space<hbm>> -> memref<10000xi32, #tpu.memory_space<hbm>>
    %dma_wait3A_39 = tpu.memref_slice %arg11[%dma_wait3A_37] : memref<5x!tpu.dma_semaphore, #tpu.memory_space<semaphore_mem>> -> memref<1x!tpu.dma_semaphore, #tpu.memory_space<semaphore_mem>>
    %dma_wait3A_40 = tpu.memref_squeeze %dma_wait3A_39 : memref<1x!tpu.dma_semaphore, #tpu.memory_space<semaphore_mem>> -> memref<!tpu.dma_semaphore, #tpu.memory_space<semaphore_mem>>
    %dma_wait3A_41 = tpu.memref_slice %arg3[%mul3A_2] : memref<320000xi32, #tpu.memory_space<hbm>> -> memref<10000xi32, #tpu.memory_space<hbm>>
    tpu.wait_dma2 semaphore(%dma_wait3A_40 : memref<!tpu.dma_semaphore, #tpu.memory_space<semaphore_mem>>) src(%dma_wait3A_41 : memref<10000xi32, #tpu.memory_space<hbm>>) dst(%arg8 : memref<10000xi32, #tpu.memory_space<vmem>>)
    %dma_wait3A_42 = arith.constant 2 : i32
    %dma_wait3A_43 = tpu.memref_slice %arg4[%mul3A_2] : memref<320000xi32, #tpu.memory_space<hbm>> -> memref<10000xi32, #tpu.memory_space<hbm>>
    %dma_wait3A_44 = tpu.memref_slice %arg11[%dma_wait3A_42] : memref<5x!tpu.dma_semaphore, #tpu.memory_space<semaphore_mem>> -> memref<1x!tpu.dma_semaphore, #tpu.memory_space<semaphore_mem>>
    %dma_wait3A_45 = tpu.memref_squeeze %dma_wait3A_44 : memref<1x!tpu.dma_semaphore, #tpu.memory_space<semaphore_mem>> -> memref<!tpu.dma_semaphore, #tpu.memory_space<semaphore_mem>>
    %dma_wait3A_46 = tpu.memref_slice %arg4[%mul3A_2] : memref<320000xi32, #tpu.memory_space<hbm>> -> memref<10000xi32, #tpu.memory_space<hbm>>
    tpu.wait_dma2 semaphore(%dma_wait3A_45 : memref<!tpu.dma_semaphore, #tpu.memory_space<semaphore_mem>>) src(%dma_wait3A_46 : memref<10000xi32, #tpu.memory_space<hbm>>) dst(%arg9 : memref<10000xi32, #tpu.memory_space<vmem>>)
    %dma_wait3A_47 = arith.constant 3 : i32
    %dma_wait3A_48 = tpu.memref_slice %arg5[%mul3A_2] : memref<320000xf32, #tpu.memory_space<hbm>> -> memref<10000xf32, #tpu.memory_space<hbm>>
    %dma_wait3A_49 = tpu.memref_slice %arg11[%dma_wait3A_47] : memref<5x!tpu.dma_semaphore, #tpu.memory_space<semaphore_mem>> -> memref<1x!tpu.dma_semaphore, #tpu.memory_space<semaphore_mem>>
    %dma_wait3A_50 = tpu.memref_squeeze %dma_wait3A_49 : memref<1x!tpu.dma_semaphore, #tpu.memory_space<semaphore_mem>> -> memref<!tpu.dma_semaphore, #tpu.memory_space<semaphore_mem>>
    %dma_wait3A_51 = tpu.memref_slice %arg5[%mul3A_2] : memref<320000xf32, #tpu.memory_space<hbm>> -> memref<10000xf32, #tpu.memory_space<hbm>>
    tpu.wait_dma2 semaphore(%dma_wait3A_50 : memref<!tpu.dma_semaphore, #tpu.memory_space<semaphore_mem>>) src(%dma_wait3A_51 : memref<10000xf32, #tpu.memory_space<hbm>>) dst(%arg10 : memref<10000xf32, #tpu.memory_space<vmem>>)
    %broadcast_in_dim3A_52 = arith.constant 1.000000e+00 : f32
    %broadcast_in_dim3A_53 = vector.broadcast %broadcast_in_dim3A_52 : f32 to vector<16xf32>
    %parallel_loop3A = arith.constant 0 : i32
    %parallel_loop3A_54 = arith.constant 625 : i32
    %parallel_loop3A_55 = arith.constant 1 : i32
    scf.for %parallel_loop3A_136 = %parallel_loop3A to %parallel_loop3A_54 step %parallel_loop3A_55  : i32 {
      %parallel_loop3A_137 = arith.constant 16 : i32
      %parallel_loop3A_138 = arith.muli %parallel_loop3A_136, %parallel_loop3A_137 : i32
      %parallel_loop3A_139 = arith.index_cast %parallel_loop3A_138 : i32 to index
      %parallel_loop3A_140 = tpu.vector_load %arg8[%parallel_loop3A_139] {strides = array<i32>} : memref<10000xi32, #tpu.memory_space<vmem>>, vector<16xi32>,
      %parallel_loop3A_141 = arith.index_cast %parallel_loop3A_138 : i32 to index
      %parallel_loop3A_142 = tpu.vector_load %arg9[%parallel_loop3A_141] {strides = array<i32>} : memref<10000xi32, #tpu.memory_space<vmem>>, vector<16xi32>,
      %parallel_loop3A_143 = arith.index_cast %parallel_loop3A_138 : i32 to index
      %parallel_loop3A_144 = tpu.vector_load %arg10[%parallel_loop3A_143] {strides = array<i32>} : memref<10000xf32, #tpu.memory_space<vmem>>, vector<16xf32>,
      %parallel_loop3A_145 = tpu.vector_load_idx %arg7[%parallel_loop3A_140] : memref<20480xf32, #tpu.memory_space<vmem>>[vector<16xi32>], vector<16xf32>,
      %parallel_loop3A_146 = arith.constant 10240 : i32
      %parallel_loop3A_147 = vector.broadcast %parallel_loop3A_146 : i32 to vector<16xi32>
      %parallel_loop3A_148 = arith.addi %parallel_loop3A_140, %parallel_loop3A_147 : vector<16xi32>
      %parallel_loop3A_149 = tpu.vector_load_idx %arg7[%parallel_loop3A_148] : memref<20480xf32, #tpu.memory_space<vmem>>[vector<16xi32>], vector<16xf32>,
      %parallel_loop3A_150 = tpu.vector_load_idx %arg7[%parallel_loop3A_142] : memref<20480xf32, #tpu.memory_space<vmem>>[vector<16xi32>], vector<16xf32>,
      %parallel_loop3A_151 = arith.constant 10240 : i32
      %parallel_loop3A_152 = vector.broadcast %parallel_loop3A_151 : i32 to vector<16xi32>
      %parallel_loop3A_153 = arith.addi %parallel_loop3A_142, %parallel_loop3A_152 : vector<16xi32>
      %parallel_loop3A_154 = tpu.vector_load_idx %arg7[%parallel_loop3A_153] : memref<20480xf32, #tpu.memory_space<vmem>>[vector<16xi32>], vector<16xf32>,
      tpu.vector_store_idx %arg12[%parallel_loop3A_142], %parallel_loop3A_145 {add = true} : memref<10240xf32, #tpu.memory_space<vmem>>[vector<16xi32>], vector<16xf32>,
      %parallel_loop3A_155 = arith.mulf %parallel_loop3A_144, %parallel_loop3A_149 : vector<16xf32>
      tpu.vector_store_idx %arg13[%parallel_loop3A_142], %parallel_loop3A_155 {add = true} : memref<10240xf32, #tpu.memory_space<vmem>>[vector<16xi32>], vector<16xf32>,
      tpu.vector_store_idx %arg14[%parallel_loop3A_140], %parallel_loop3A_150 {add = true} : memref<10240xf32, #tpu.memory_space<vmem>>[vector<16xi32>], vector<16xf32>,
      %parallel_loop3A_156 = arith.mulf %parallel_loop3A_144, %parallel_loop3A_154 : vector<16xf32>
      tpu.vector_store_idx %arg15[%parallel_loop3A_140], %parallel_loop3A_156 {add = true} : memref<10240xf32, #tpu.memory_space<vmem>>[vector<16xi32>], vector<16xf32>,
      tpu.vector_store_idx %arg16[%parallel_loop3A_142], %broadcast_in_dim3A_53 {add = true} : memref<10240xf32, #tpu.memory_space<vmem>>[vector<16xi32>], vector<16xf32>,
    } {sc.loop_unroll_factor = 5 : i64, sc.parallel_access}
    %mul3A_56 = arith.constant 5 : i32
    %mul3A_57 = arith.muli %add3A, %mul3A_56 : i32
    %add3A_58 = arith.constant 0 : i32
    %add3A_59 = arith.addi %mul3A_57, %add3A_58 : i32
    %mul3A_60 = arith.constant 10240 : i32
    %mul3A_61 = arith.muli %add3A_59, %mul3A_60 : i32
    %mul3A_62 = arith.constant 5 : i32
    %mul3A_63 = arith.muli %add3A, %mul3A_62 : i32
    %add3A_64 = arith.constant 1 : i32
    %add3A_65 = arith.addi %mul3A_63, %add3A_64 : i32
    %mul3A_66 = arith.constant 10240 : i32
    %mul3A_67 = arith.muli %add3A_65, %mul3A_66 : i32
    %mul3A_68 = arith.constant 5 : i32
    %mul3A_69 = arith.muli %add3A, %mul3A_68 : i32
    %add3A_70 = arith.constant 2 : i32
    %add3A_71 = arith.addi %mul3A_69, %add3A_70 : i32
    %mul3A_72 = arith.constant 10240 : i32
    %mul3A_73 = arith.muli %add3A_71, %mul3A_72 : i32
    %mul3A_74 = arith.constant 5 : i32
    %mul3A_75 = arith.muli %add3A, %mul3A_74 : i32
    %add3A_76 = arith.constant 3 : i32
    %add3A_77 = arith.addi %mul3A_75, %add3A_76 : i32
    %mul3A_78 = arith.constant 10240 : i32
    %mul3A_79 = arith.muli %add3A_77, %mul3A_78 : i32
    %mul3A_80 = arith.constant 5 : i32
    %mul3A_81 = arith.muli %add3A, %mul3A_80 : i32
    %add3A_82 = arith.constant 4 : i32
    %add3A_83 = arith.addi %mul3A_81, %add3A_82 : i32
    %mul3A_84 = arith.constant 10240 : i32
    %mul3A_85 = arith.muli %add3A_83, %mul3A_84 : i32
    %dma_start3A_86 = arith.constant 0 : i32
    %dma_start3A_87 = tpu.memref_slice %arg6[%mul3A_61] : memref<1638400xf32, #tpu.memory_space<hbm>> -> memref<10240xf32, #tpu.memory_space<hbm>>
    %dma_start3A_88 = tpu.memref_slice %arg11[%dma_start3A_86] : memref<5x!tpu.dma_semaphore, #tpu.memory_space<semaphore_mem>> -> memref<1x!tpu.dma_semaphore, #tpu.memory_space<semaphore_mem>>
    %dma_start3A_89 = tpu.memref_squeeze %dma_start3A_88 : memref<1x!tpu.dma_semaphore, #tpu.memory_space<semaphore_mem>> -> memref<!tpu.dma_semaphore, #tpu.memory_space<semaphore_mem>>
    %dma_start3A_90 = tpu.memref_slice %arg6[%mul3A_61] : memref<1638400xf32, #tpu.memory_space<hbm>> -> memref<10240xf32, #tpu.memory_space<hbm>>
    tpu.enqueue_dma source(%arg12 : memref<10240xf32, #tpu.memory_space<vmem>>) target(%dma_start3A_90 : memref<10240xf32, #tpu.memory_space<hbm>>) target_semaphore(%dma_start3A_89 : memref<!tpu.dma_semaphore, #tpu.memory_space<semaphore_mem>>)
    %dma_start3A_91 = arith.constant 1 : i32
    %dma_start3A_92 = tpu.memref_slice %arg6[%mul3A_67] : memref<1638400xf32, #tpu.memory_space<hbm>> -> memref<10240xf32, #tpu.memory_space<hbm>>
    %dma_start3A_93 = tpu.memref_slice %arg11[%dma_start3A_91] : memref<5x!tpu.dma_semaphore, #tpu.memory_space<semaphore_mem>> -> memref<1x!tpu.dma_semaphore, #tpu.memory_space<semaphore_mem>>
    %dma_start3A_94 = tpu.memref_squeeze %dma_start3A_93 : memref<1x!tpu.dma_semaphore, #tpu.memory_space<semaphore_mem>> -> memref<!tpu.dma_semaphore, #tpu.memory_space<semaphore_mem>>
    %dma_start3A_95 = tpu.memref_slice %arg6[%mul3A_67] : memref<1638400xf32, #tpu.memory_space<hbm>> -> memref<10240xf32, #tpu.memory_space<hbm>>
    tpu.enqueue_dma source(%arg13 : memref<10240xf32, #tpu.memory_space<vmem>>) target(%dma_start3A_95 : memref<10240xf32, #tpu.memory_space<hbm>>) target_semaphore(%dma_start3A_94 : memref<!tpu.dma_semaphore, #tpu.memory_space<semaphore_mem>>)
    %dma_start3A_96 = arith.constant 2 : i32
    %dma_start3A_97 = tpu.memref_slice %arg6[%mul3A_73] : memref<1638400xf32, #tpu.memory_space<hbm>> -> memref<10240xf32, #tpu.memory_space<hbm>>
    %dma_start3A_98 = tpu.memref_slice %arg11[%dma_start3A_96] : memref<5x!tpu.dma_semaphore, #tpu.memory_space<semaphore_mem>> -> memref<1x!tpu.dma_semaphore, #tpu.memory_space<semaphore_mem>>
    %dma_start3A_99 = tpu.memref_squeeze %dma_start3A_98 : memref<1x!tpu.dma_semaphore, #tpu.memory_space<semaphore_mem>> -> memref<!tpu.dma_semaphore, #tpu.memory_space<semaphore_mem>>
    %dma_start3A_100 = tpu.memref_slice %arg6[%mul3A_73] : memref<1638400xf32, #tpu.memory_space<hbm>> -> memref<10240xf32, #tpu.memory_space<hbm>>
    tpu.enqueue_dma source(%arg14 : memref<10240xf32, #tpu.memory_space<vmem>>) target(%dma_start3A_100 : memref<10240xf32, #tpu.memory_space<hbm>>) target_semaphore(%dma_start3A_99 : memref<!tpu.dma_semaphore, #tpu.memory_space<semaphore_mem>>)
    %dma_start3A_101 = arith.constant 3 : i32
    %dma_start3A_102 = tpu.memref_slice %arg6[%mul3A_79] : memref<1638400xf32, #tpu.memory_space<hbm>> -> memref<10240xf32, #tpu.memory_space<hbm>>
    %dma_start3A_103 = tpu.memref_slice %arg11[%dma_start3A_101] : memref<5x!tpu.dma_semaphore, #tpu.memory_space<semaphore_mem>> -> memref<1x!tpu.dma_semaphore, #tpu.memory_space<semaphore_mem>>
    %dma_start3A_104 = tpu.memref_squeeze %dma_start3A_103 : memref<1x!tpu.dma_semaphore, #tpu.memory_space<semaphore_mem>> -> memref<!tpu.dma_semaphore, #tpu.memory_space<semaphore_mem>>
    %dma_start3A_105 = tpu.memref_slice %arg6[%mul3A_79] : memref<1638400xf32, #tpu.memory_space<hbm>> -> memref<10240xf32, #tpu.memory_space<hbm>>
    tpu.enqueue_dma source(%arg15 : memref<10240xf32, #tpu.memory_space<vmem>>) target(%dma_start3A_105 : memref<10240xf32, #tpu.memory_space<hbm>>) target_semaphore(%dma_start3A_104 : memref<!tpu.dma_semaphore, #tpu.memory_space<semaphore_mem>>)
    %dma_start3A_106 = arith.constant 4 : i32
    %dma_start3A_107 = tpu.memref_slice %arg6[%mul3A_85] : memref<1638400xf32, #tpu.memory_space<hbm>> -> memref<10240xf32, #tpu.memory_space<hbm>>
    %dma_start3A_108 = tpu.memref_slice %arg11[%dma_start3A_106] : memref<5x!tpu.dma_semaphore, #tpu.memory_space<semaphore_mem>> -> memref<1x!tpu.dma_semaphore, #tpu.memory_space<semaphore_mem>>
    %dma_start3A_109 = tpu.memref_squeeze %dma_start3A_108 : memref<1x!tpu.dma_semaphore, #tpu.memory_space<semaphore_mem>> -> memref<!tpu.dma_semaphore, #tpu.memory_space<semaphore_mem>>
    %dma_start3A_110 = tpu.memref_slice %arg6[%mul3A_85] : memref<1638400xf32, #tpu.memory_space<hbm>> -> memref<10240xf32, #tpu.memory_space<hbm>>
    tpu.enqueue_dma source(%arg16 : memref<10240xf32, #tpu.memory_space<vmem>>) target(%dma_start3A_110 : memref<10240xf32, #tpu.memory_space<hbm>>) target_semaphore(%dma_start3A_109 : memref<!tpu.dma_semaphore, #tpu.memory_space<semaphore_mem>>)
    %dma_wait3A_111 = arith.constant 0 : i32
    %dma_wait3A_112 = tpu.memref_slice %arg6[%mul3A_61] : memref<1638400xf32, #tpu.memory_space<hbm>> -> memref<10240xf32, #tpu.memory_space<hbm>>
    %dma_wait3A_113 = tpu.memref_slice %arg11[%dma_wait3A_111] : memref<5x!tpu.dma_semaphore, #tpu.memory_space<semaphore_mem>> -> memref<1x!tpu.dma_semaphore, #tpu.memory_space<semaphore_mem>>
    %dma_wait3A_114 = tpu.memref_squeeze %dma_wait3A_113 : memref<1x!tpu.dma_semaphore, #tpu.memory_space<semaphore_mem>> -> memref<!tpu.dma_semaphore, #tpu.memory_space<semaphore_mem>>
    %dma_wait3A_115 = tpu.memref_slice %arg6[%mul3A_61] : memref<1638400xf32, #tpu.memory_space<hbm>> -> memref<10240xf32, #tpu.memory_space<hbm>>
    tpu.wait_dma2 semaphore(%dma_wait3A_114 : memref<!tpu.dma_semaphore, #tpu.memory_space<semaphore_mem>>) src(%arg12 : memref<10240xf32, #tpu.memory_space<vmem>>) dst(%dma_wait3A_115 : memref<10240xf32, #tpu.memory_space<hbm>>)
    %dma_wait3A_116 = arith.constant 1 : i32
    %dma_wait3A_117 = tpu.memref_slice %arg6[%mul3A_67] : memref<1638400xf32, #tpu.memory_space<hbm>> -> memref<10240xf32, #tpu.memory_space<hbm>>
    %dma_wait3A_118 = tpu.memref_slice %arg11[%dma_wait3A_116] : memref<5x!tpu.dma_semaphore, #tpu.memory_space<semaphore_mem>> -> memref<1x!tpu.dma_semaphore, #tpu.memory_space<semaphore_mem>>
    %dma_wait3A_119 = tpu.memref_squeeze %dma_wait3A_118 : memref<1x!tpu.dma_semaphore, #tpu.memory_space<semaphore_mem>> -> memref<!tpu.dma_semaphore, #tpu.memory_space<semaphore_mem>>
    %dma_wait3A_120 = tpu.memref_slice %arg6[%mul3A_67] : memref<1638400xf32, #tpu.memory_space<hbm>> -> memref<10240xf32, #tpu.memory_space<hbm>>
    tpu.wait_dma2 semaphore(%dma_wait3A_119 : memref<!tpu.dma_semaphore, #tpu.memory_space<semaphore_mem>>) src(%arg13 : memref<10240xf32, #tpu.memory_space<vmem>>) dst(%dma_wait3A_120 : memref<10240xf32, #tpu.memory_space<hbm>>)
    %dma_wait3A_121 = arith.constant 2 : i32
    %dma_wait3A_122 = tpu.memref_slice %arg6[%mul3A_73] : memref<1638400xf32, #tpu.memory_space<hbm>> -> memref<10240xf32, #tpu.memory_space<hbm>>
    %dma_wait3A_123 = tpu.memref_slice %arg11[%dma_wait3A_121] : memref<5x!tpu.dma_semaphore, #tpu.memory_space<semaphore_mem>> -> memref<1x!tpu.dma_semaphore, #tpu.memory_space<semaphore_mem>>
    %dma_wait3A_124 = tpu.memref_squeeze %dma_wait3A_123 : memref<1x!tpu.dma_semaphore, #tpu.memory_space<semaphore_mem>> -> memref<!tpu.dma_semaphore, #tpu.memory_space<semaphore_mem>>
    %dma_wait3A_125 = tpu.memref_slice %arg6[%mul3A_73] : memref<1638400xf32, #tpu.memory_space<hbm>> -> memref<10240xf32, #tpu.memory_space<hbm>>
    tpu.wait_dma2 semaphore(%dma_wait3A_124 : memref<!tpu.dma_semaphore, #tpu.memory_space<semaphore_mem>>) src(%arg14 : memref<10240xf32, #tpu.memory_space<vmem>>) dst(%dma_wait3A_125 : memref<10240xf32, #tpu.memory_space<hbm>>)
    %dma_wait3A_126 = arith.constant 3 : i32
    %dma_wait3A_127 = tpu.memref_slice %arg6[%mul3A_79] : memref<1638400xf32, #tpu.memory_space<hbm>> -> memref<10240xf32, #tpu.memory_space<hbm>>
    %dma_wait3A_128 = tpu.memref_slice %arg11[%dma_wait3A_126] : memref<5x!tpu.dma_semaphore, #tpu.memory_space<semaphore_mem>> -> memref<1x!tpu.dma_semaphore, #tpu.memory_space<semaphore_mem>>
    %dma_wait3A_129 = tpu.memref_squeeze %dma_wait3A_128 : memref<1x!tpu.dma_semaphore, #tpu.memory_space<semaphore_mem>> -> memref<!tpu.dma_semaphore, #tpu.memory_space<semaphore_mem>>
    %dma_wait3A_130 = tpu.memref_slice %arg6[%mul3A_79] : memref<1638400xf32, #tpu.memory_space<hbm>> -> memref<10240xf32, #tpu.memory_space<hbm>>
    tpu.wait_dma2 semaphore(%dma_wait3A_129 : memref<!tpu.dma_semaphore, #tpu.memory_space<semaphore_mem>>) src(%arg15 : memref<10240xf32, #tpu.memory_space<vmem>>) dst(%dma_wait3A_130 : memref<10240xf32, #tpu.memory_space<hbm>>)
    %dma_wait3A_131 = arith.constant 4 : i32
    %dma_wait3A_132 = tpu.memref_slice %arg6[%mul3A_85] : memref<1638400xf32, #tpu.memory_space<hbm>> -> memref<10240xf32, #tpu.memory_space<hbm>>
    %dma_wait3A_133 = tpu.memref_slice %arg11[%dma_wait3A_131] : memref<5x!tpu.dma_semaphore, #tpu.memory_space<semaphore_mem>> -> memref<1x!tpu.dma_semaphore, #tpu.memory_space<semaphore_mem>>
    %dma_wait3A_134 = tpu.memref_squeeze %dma_wait3A_133 : memref<1x!tpu.dma_semaphore, #tpu.memory_space<semaphore_mem>> -> memref<!tpu.dma_semaphore, #tpu.memory_space<semaphore_mem>>
    %dma_wait3A_135 = tpu.memref_slice %arg6[%mul3A_85] : memref<1638400xf32, #tpu.memory_space<hbm>> -> memref<10240xf32, #tpu.memory_space<hbm>>
    tpu.wait_dma2 semaphore(%dma_wait3A_134 : memref<!tpu.dma_semaphore, #tpu.memory_space<semaphore_mem>>) src(%arg16 : memref<10240xf32, #tpu.memory_space<vmem>>) dst(%dma_wait3A_135 : memref<10240xf32, #tpu.memory_space<hbm>>)
    return
  }
}

#map = affine_map<(d0, d1) -> (0)>
module attributes {stable_mosaic.version = 14 : i64} {
  func.func @_edge_body(%arg0: i32, %arg1: i32, %arg2: memref<30720xf32, #tpu.memory_space<hbm>>, %arg3: memref<320000xi32, #tpu.memory_space<hbm>>, %arg4: memref<320000xi32, #tpu.memory_space<hbm>>, %arg5: memref<320000xf32, #tpu.memory_space<hbm>>, %arg6: memref<1310720xf32, #tpu.memory_space<hbm>>, %arg7: memref<20480xf32, #tpu.memory_space<vmem>>, %arg8: memref<10000xi32, #tpu.memory_space<vmem>>, %arg9: memref<10000xi32, #tpu.memory_space<vmem>>, %arg10: memref<10000xf32, #tpu.memory_space<vmem>>, %arg11: memref<5x!tpu.dma_semaphore, #tpu.memory_space<semaphore_mem>>, %arg12: memref<10240xf32, #tpu.memory_space<vmem>>, %arg13: memref<10240xf32, #tpu.memory_space<vmem>>, %arg14: memref<10240xf32, #tpu.memory_space<vmem>>, %arg15: memref<10240xf32, #tpu.memory_space<vmem>>) attributes {dimension_semantics = [#tpu.dimension_semantics<core_parallel>, #tpu.dimension_semantics<subcore_parallel>], iteration_bounds = array<i64: 2, 16>, scalar_prefetch = 0 : i64, scratch_operands = 9 : i64, tpu.core_type = #tpu.core_type<sc_vector_subcore>, window_params = [{transform_indices = #map}, {transform_indices = #map}, {transform_indices = #map}, {transform_indices = #map}, {transform_indices = #map}]} {
    %mul3A = arith.constant 2 : i32
    %mul3A_0 = arith.muli %arg1, %mul3A : i32
    %add3A = arith.addi %mul3A_0, %arg0 : i32
    %mul3A_1 = arith.constant 10000 : i32
    %mul3A_2 = arith.muli %add3A, %mul3A_1 : i32
    %dma_start3A = arith.constant 0 : i32
    %dma_start3A_3 = arith.constant 10240 : i32
    %dma_start3A_4 = tpu.memref_slice %arg2[%dma_start3A_3] : memref<30720xf32, #tpu.memory_space<hbm>> -> memref<20480xf32, #tpu.memory_space<hbm>>
    %dma_start3A_5 = tpu.memref_slice %arg11[%dma_start3A] : memref<5x!tpu.dma_semaphore, #tpu.memory_space<semaphore_mem>> -> memref<1x!tpu.dma_semaphore, #tpu.memory_space<semaphore_mem>>
    %dma_start3A_6 = tpu.memref_squeeze %dma_start3A_5 : memref<1x!tpu.dma_semaphore, #tpu.memory_space<semaphore_mem>> -> memref<!tpu.dma_semaphore, #tpu.memory_space<semaphore_mem>>
    %dma_start3A_7 = arith.constant 10240 : i32
    %dma_start3A_8 = tpu.memref_slice %arg2[%dma_start3A_7] : memref<30720xf32, #tpu.memory_space<hbm>> -> memref<20480xf32, #tpu.memory_space<hbm>>
    tpu.enqueue_dma source(%dma_start3A_8 : memref<20480xf32, #tpu.memory_space<hbm>>) target(%arg7 : memref<20480xf32, #tpu.memory_space<vmem>>) target_semaphore(%dma_start3A_6 : memref<!tpu.dma_semaphore, #tpu.memory_space<semaphore_mem>>)
    %dma_start3A_9 = arith.constant 1 : i32
    %dma_start3A_10 = tpu.memref_slice %arg3[%mul3A_2] : memref<320000xi32, #tpu.memory_space<hbm>> -> memref<10000xi32, #tpu.memory_space<hbm>>
    %dma_start3A_11 = tpu.memref_slice %arg11[%dma_start3A_9] : memref<5x!tpu.dma_semaphore, #tpu.memory_space<semaphore_mem>> -> memref<1x!tpu.dma_semaphore, #tpu.memory_space<semaphore_mem>>
    %dma_start3A_12 = tpu.memref_squeeze %dma_start3A_11 : memref<1x!tpu.dma_semaphore, #tpu.memory_space<semaphore_mem>> -> memref<!tpu.dma_semaphore, #tpu.memory_space<semaphore_mem>>
    %dma_start3A_13 = tpu.memref_slice %arg3[%mul3A_2] : memref<320000xi32, #tpu.memory_space<hbm>> -> memref<10000xi32, #tpu.memory_space<hbm>>
    tpu.enqueue_dma source(%dma_start3A_13 : memref<10000xi32, #tpu.memory_space<hbm>>) target(%arg8 : memref<10000xi32, #tpu.memory_space<vmem>>) target_semaphore(%dma_start3A_12 : memref<!tpu.dma_semaphore, #tpu.memory_space<semaphore_mem>>)
    %dma_start3A_14 = arith.constant 2 : i32
    %dma_start3A_15 = tpu.memref_slice %arg4[%mul3A_2] : memref<320000xi32, #tpu.memory_space<hbm>> -> memref<10000xi32, #tpu.memory_space<hbm>>
    %dma_start3A_16 = tpu.memref_slice %arg11[%dma_start3A_14] : memref<5x!tpu.dma_semaphore, #tpu.memory_space<semaphore_mem>> -> memref<1x!tpu.dma_semaphore, #tpu.memory_space<semaphore_mem>>
    %dma_start3A_17 = tpu.memref_squeeze %dma_start3A_16 : memref<1x!tpu.dma_semaphore, #tpu.memory_space<semaphore_mem>> -> memref<!tpu.dma_semaphore, #tpu.memory_space<semaphore_mem>>
    %dma_start3A_18 = tpu.memref_slice %arg4[%mul3A_2] : memref<320000xi32, #tpu.memory_space<hbm>> -> memref<10000xi32, #tpu.memory_space<hbm>>
    tpu.enqueue_dma source(%dma_start3A_18 : memref<10000xi32, #tpu.memory_space<hbm>>) target(%arg9 : memref<10000xi32, #tpu.memory_space<vmem>>) target_semaphore(%dma_start3A_17 : memref<!tpu.dma_semaphore, #tpu.memory_space<semaphore_mem>>)
    %dma_start3A_19 = arith.constant 3 : i32
    %dma_start3A_20 = tpu.memref_slice %arg5[%mul3A_2] : memref<320000xf32, #tpu.memory_space<hbm>> -> memref<10000xf32, #tpu.memory_space<hbm>>
    %dma_start3A_21 = tpu.memref_slice %arg11[%dma_start3A_19] : memref<5x!tpu.dma_semaphore, #tpu.memory_space<semaphore_mem>> -> memref<1x!tpu.dma_semaphore, #tpu.memory_space<semaphore_mem>>
    %dma_start3A_22 = tpu.memref_squeeze %dma_start3A_21 : memref<1x!tpu.dma_semaphore, #tpu.memory_space<semaphore_mem>> -> memref<!tpu.dma_semaphore, #tpu.memory_space<semaphore_mem>>
    %dma_start3A_23 = tpu.memref_slice %arg5[%mul3A_2] : memref<320000xf32, #tpu.memory_space<hbm>> -> memref<10000xf32, #tpu.memory_space<hbm>>
    tpu.enqueue_dma source(%dma_start3A_23 : memref<10000xf32, #tpu.memory_space<hbm>>) target(%arg10 : memref<10000xf32, #tpu.memory_space<vmem>>) target_semaphore(%dma_start3A_22 : memref<!tpu.dma_semaphore, #tpu.memory_space<semaphore_mem>>)
    %broadcast_in_dim3A = arith.constant 0.000000e+00 : f32
    %broadcast_in_dim3A_24 = vector.broadcast %broadcast_in_dim3A : f32 to vector<16xf32>
    %scan3A = arith.constant 0 : i32
    %scan3A_25 = arith.constant 0 : i32
    %scan3A_26 = arith.constant 160 : i32
    %scan3A_27 = arith.addi %scan3A_25, %scan3A_26 : i32
    %scan3A_28 = arith.constant 1 : i32
    %scan3A_29 = scf.for %scan3A_120 = %scan3A_25 to %scan3A_27 step %scan3A_28 iter_args(%scan3A_121 = %scan3A) -> (i32)  : i32 {
      %mul3A_122 = arith.constant 64 : i32
      %mul3A_123 = arith.muli %scan3A_120, %mul3A_122 : i32
      %add3A_124 = arith.constant 0 : i32
      %add3A_125 = arith.addi %mul3A_123, %add3A_124 : i32
      %swap3A = arith.index_cast %add3A_125 : i32 to index
      %swap3A_126 = tpu.vector_load %arg12[%swap3A] {strides = array<i32>} : memref<10240xf32, #tpu.memory_space<vmem>>, vector<16xf32>,
      tpu.vector_store %arg12[%swap3A], %broadcast_in_dim3A_24 {strides = array<i32>} : memref<10240xf32, #tpu.memory_space<vmem>>, vector<16xf32>,
      %add3A_127 = arith.constant 0 : i32
      %add3A_128 = arith.addi %mul3A_123, %add3A_127 : i32
      %swap3A_129 = arith.index_cast %add3A_128 : i32 to index
      %swap3A_130 = tpu.vector_load %arg13[%swap3A_129] {strides = array<i32>} : memref<10240xf32, #tpu.memory_space<vmem>>, vector<16xf32>,
      tpu.vector_store %arg13[%swap3A_129], %broadcast_in_dim3A_24 {strides = array<i32>} : memref<10240xf32, #tpu.memory_space<vmem>>, vector<16xf32>,
      %add3A_131 = arith.constant 0 : i32
      %add3A_132 = arith.addi %mul3A_123, %add3A_131 : i32
      %swap3A_133 = arith.index_cast %add3A_132 : i32 to index
      %swap3A_134 = tpu.vector_load %arg14[%swap3A_133] {strides = array<i32>} : memref<10240xf32, #tpu.memory_space<vmem>>, vector<16xf32>,
      tpu.vector_store %arg14[%swap3A_133], %broadcast_in_dim3A_24 {strides = array<i32>} : memref<10240xf32, #tpu.memory_space<vmem>>, vector<16xf32>,
      %add3A_135 = arith.constant 0 : i32
      %add3A_136 = arith.addi %mul3A_123, %add3A_135 : i32
      %swap3A_137 = arith.index_cast %add3A_136 : i32 to index
      %swap3A_138 = tpu.vector_load %arg15[%swap3A_137] {strides = array<i32>} : memref<10240xf32, #tpu.memory_space<vmem>>, vector<16xf32>,
      tpu.vector_store %arg15[%swap3A_137], %broadcast_in_dim3A_24 {strides = array<i32>} : memref<10240xf32, #tpu.memory_space<vmem>>, vector<16xf32>,
      %add3A_139 = arith.constant 16 : i32
      %add3A_140 = arith.addi %mul3A_123, %add3A_139 : i32
      %swap3A_141 = arith.index_cast %add3A_140 : i32 to index
      %swap3A_142 = tpu.vector_load %arg12[%swap3A_141] {strides = array<i32>} : memref<10240xf32, #tpu.memory_space<vmem>>, vector<16xf32>,
      tpu.vector_store %arg12[%swap3A_141], %broadcast_in_dim3A_24 {strides = array<i32>} : memref<10240xf32, #tpu.memory_space<vmem>>, vector<16xf32>,
      %add3A_143 = arith.constant 16 : i32
      %add3A_144 = arith.addi %mul3A_123, %add3A_143 : i32
      %swap3A_145 = arith.index_cast %add3A_144 : i32 to index
      %swap3A_146 = tpu.vector_load %arg13[%swap3A_145] {strides = array<i32>} : memref<10240xf32, #tpu.memory_space<vmem>>, vector<16xf32>,
      tpu.vector_store %arg13[%swap3A_145], %broadcast_in_dim3A_24 {strides = array<i32>} : memref<10240xf32, #tpu.memory_space<vmem>>, vector<16xf32>,
      %add3A_147 = arith.constant 16 : i32
      %add3A_148 = arith.addi %mul3A_123, %add3A_147 : i32
      %swap3A_149 = arith.index_cast %add3A_148 : i32 to index
      %swap3A_150 = tpu.vector_load %arg14[%swap3A_149] {strides = array<i32>} : memref<10240xf32, #tpu.memory_space<vmem>>, vector<16xf32>,
      tpu.vector_store %arg14[%swap3A_149], %broadcast_in_dim3A_24 {strides = array<i32>} : memref<10240xf32, #tpu.memory_space<vmem>>, vector<16xf32>,
      %add3A_151 = arith.constant 16 : i32
      %add3A_152 = arith.addi %mul3A_123, %add3A_151 : i32
      %swap3A_153 = arith.index_cast %add3A_152 : i32 to index
      %swap3A_154 = tpu.vector_load %arg15[%swap3A_153] {strides = array<i32>} : memref<10240xf32, #tpu.memory_space<vmem>>, vector<16xf32>,
      tpu.vector_store %arg15[%swap3A_153], %broadcast_in_dim3A_24 {strides = array<i32>} : memref<10240xf32, #tpu.memory_space<vmem>>, vector<16xf32>,
      %add3A_155 = arith.constant 32 : i32
      %add3A_156 = arith.addi %mul3A_123, %add3A_155 : i32
      %swap3A_157 = arith.index_cast %add3A_156 : i32 to index
      %swap3A_158 = tpu.vector_load %arg12[%swap3A_157] {strides = array<i32>} : memref<10240xf32, #tpu.memory_space<vmem>>, vector<16xf32>,
      tpu.vector_store %arg12[%swap3A_157], %broadcast_in_dim3A_24 {strides = array<i32>} : memref<10240xf32, #tpu.memory_space<vmem>>, vector<16xf32>,
      %add3A_159 = arith.constant 32 : i32
      %add3A_160 = arith.addi %mul3A_123, %add3A_159 : i32
      %swap3A_161 = arith.index_cast %add3A_160 : i32 to index
      %swap3A_162 = tpu.vector_load %arg13[%swap3A_161] {strides = array<i32>} : memref<10240xf32, #tpu.memory_space<vmem>>, vector<16xf32>,
      tpu.vector_store %arg13[%swap3A_161], %broadcast_in_dim3A_24 {strides = array<i32>} : memref<10240xf32, #tpu.memory_space<vmem>>, vector<16xf32>,
      %add3A_163 = arith.constant 32 : i32
      %add3A_164 = arith.addi %mul3A_123, %add3A_163 : i32
      %swap3A_165 = arith.index_cast %add3A_164 : i32 to index
      %swap3A_166 = tpu.vector_load %arg14[%swap3A_165] {strides = array<i32>} : memref<10240xf32, #tpu.memory_space<vmem>>, vector<16xf32>,
      tpu.vector_store %arg14[%swap3A_165], %broadcast_in_dim3A_24 {strides = array<i32>} : memref<10240xf32, #tpu.memory_space<vmem>>, vector<16xf32>,
      %add3A_167 = arith.constant 32 : i32
      %add3A_168 = arith.addi %mul3A_123, %add3A_167 : i32
      %swap3A_169 = arith.index_cast %add3A_168 : i32 to index
      %swap3A_170 = tpu.vector_load %arg15[%swap3A_169] {strides = array<i32>} : memref<10240xf32, #tpu.memory_space<vmem>>, vector<16xf32>,
      tpu.vector_store %arg15[%swap3A_169], %broadcast_in_dim3A_24 {strides = array<i32>} : memref<10240xf32, #tpu.memory_space<vmem>>, vector<16xf32>,
      %add3A_171 = arith.constant 48 : i32
      %add3A_172 = arith.addi %mul3A_123, %add3A_171 : i32
      %swap3A_173 = arith.index_cast %add3A_172 : i32 to index
      %swap3A_174 = tpu.vector_load %arg12[%swap3A_173] {strides = array<i32>} : memref<10240xf32, #tpu.memory_space<vmem>>, vector<16xf32>,
      tpu.vector_store %arg12[%swap3A_173], %broadcast_in_dim3A_24 {strides = array<i32>} : memref<10240xf32, #tpu.memory_space<vmem>>, vector<16xf32>,
      %add3A_175 = arith.constant 48 : i32
      %add3A_176 = arith.addi %mul3A_123, %add3A_175 : i32
      %swap3A_177 = arith.index_cast %add3A_176 : i32 to index
      %swap3A_178 = tpu.vector_load %arg13[%swap3A_177] {strides = array<i32>} : memref<10240xf32, #tpu.memory_space<vmem>>, vector<16xf32>,
      tpu.vector_store %arg13[%swap3A_177], %broadcast_in_dim3A_24 {strides = array<i32>} : memref<10240xf32, #tpu.memory_space<vmem>>, vector<16xf32>,
      %add3A_179 = arith.constant 48 : i32
      %add3A_180 = arith.addi %mul3A_123, %add3A_179 : i32
      %swap3A_181 = arith.index_cast %add3A_180 : i32 to index
      %swap3A_182 = tpu.vector_load %arg14[%swap3A_181] {strides = array<i32>} : memref<10240xf32, #tpu.memory_space<vmem>>, vector<16xf32>,
      tpu.vector_store %arg14[%swap3A_181], %broadcast_in_dim3A_24 {strides = array<i32>} : memref<10240xf32, #tpu.memory_space<vmem>>, vector<16xf32>,
      %add3A_183 = arith.constant 48 : i32
      %add3A_184 = arith.addi %mul3A_123, %add3A_183 : i32
      %swap3A_185 = arith.index_cast %add3A_184 : i32 to index
      %swap3A_186 = tpu.vector_load %arg15[%swap3A_185] {strides = array<i32>} : memref<10240xf32, #tpu.memory_space<vmem>>, vector<16xf32>,
      tpu.vector_store %arg15[%swap3A_185], %broadcast_in_dim3A_24 {strides = array<i32>} : memref<10240xf32, #tpu.memory_space<vmem>>, vector<16xf32>,
      %scan3A_187 = arith.constant 0 : i32
      scf.yield %scan3A_187 : i32
    }
    %scan3A_30 = arith.constant 160 : i32
    %dma_wait3A = arith.constant 0 : i32
    %dma_wait3A_31 = arith.constant 10240 : i32
    %dma_wait3A_32 = tpu.memref_slice %arg2[%dma_wait3A_31] : memref<30720xf32, #tpu.memory_space<hbm>> -> memref<20480xf32, #tpu.memory_space<hbm>>
    %dma_wait3A_33 = tpu.memref_slice %arg11[%dma_wait3A] : memref<5x!tpu.dma_semaphore, #tpu.memory_space<semaphore_mem>> -> memref<1x!tpu.dma_semaphore, #tpu.memory_space<semaphore_mem>>
    %dma_wait3A_34 = tpu.memref_squeeze %dma_wait3A_33 : memref<1x!tpu.dma_semaphore, #tpu.memory_space<semaphore_mem>> -> memref<!tpu.dma_semaphore, #tpu.memory_space<semaphore_mem>>
    %dma_wait3A_35 = arith.constant 10240 : i32
    %dma_wait3A_36 = tpu.memref_slice %arg2[%dma_wait3A_35] : memref<30720xf32, #tpu.memory_space<hbm>> -> memref<20480xf32, #tpu.memory_space<hbm>>
    tpu.wait_dma2 semaphore(%dma_wait3A_34 : memref<!tpu.dma_semaphore, #tpu.memory_space<semaphore_mem>>) src(%dma_wait3A_36 : memref<20480xf32, #tpu.memory_space<hbm>>) dst(%arg7 : memref<20480xf32, #tpu.memory_space<vmem>>)
    %dma_wait3A_37 = arith.constant 1 : i32
    %dma_wait3A_38 = tpu.memref_slice %arg3[%mul3A_2] : memref<320000xi32, #tpu.memory_space<hbm>> -> memref<10000xi32, #tpu.memory_space<hbm>>
    %dma_wait3A_39 = tpu.memref_slice %arg11[%dma_wait3A_37] : memref<5x!tpu.dma_semaphore, #tpu.memory_space<semaphore_mem>> -> memref<1x!tpu.dma_semaphore, #tpu.memory_space<semaphore_mem>>
    %dma_wait3A_40 = tpu.memref_squeeze %dma_wait3A_39 : memref<1x!tpu.dma_semaphore, #tpu.memory_space<semaphore_mem>> -> memref<!tpu.dma_semaphore, #tpu.memory_space<semaphore_mem>>
    %dma_wait3A_41 = tpu.memref_slice %arg3[%mul3A_2] : memref<320000xi32, #tpu.memory_space<hbm>> -> memref<10000xi32, #tpu.memory_space<hbm>>
    tpu.wait_dma2 semaphore(%dma_wait3A_40 : memref<!tpu.dma_semaphore, #tpu.memory_space<semaphore_mem>>) src(%dma_wait3A_41 : memref<10000xi32, #tpu.memory_space<hbm>>) dst(%arg8 : memref<10000xi32, #tpu.memory_space<vmem>>)
    %dma_wait3A_42 = arith.constant 2 : i32
    %dma_wait3A_43 = tpu.memref_slice %arg4[%mul3A_2] : memref<320000xi32, #tpu.memory_space<hbm>> -> memref<10000xi32, #tpu.memory_space<hbm>>
    %dma_wait3A_44 = tpu.memref_slice %arg11[%dma_wait3A_42] : memref<5x!tpu.dma_semaphore, #tpu.memory_space<semaphore_mem>> -> memref<1x!tpu.dma_semaphore, #tpu.memory_space<semaphore_mem>>
    %dma_wait3A_45 = tpu.memref_squeeze %dma_wait3A_44 : memref<1x!tpu.dma_semaphore, #tpu.memory_space<semaphore_mem>> -> memref<!tpu.dma_semaphore, #tpu.memory_space<semaphore_mem>>
    %dma_wait3A_46 = tpu.memref_slice %arg4[%mul3A_2] : memref<320000xi32, #tpu.memory_space<hbm>> -> memref<10000xi32, #tpu.memory_space<hbm>>
    tpu.wait_dma2 semaphore(%dma_wait3A_45 : memref<!tpu.dma_semaphore, #tpu.memory_space<semaphore_mem>>) src(%dma_wait3A_46 : memref<10000xi32, #tpu.memory_space<hbm>>) dst(%arg9 : memref<10000xi32, #tpu.memory_space<vmem>>)
    %dma_wait3A_47 = arith.constant 3 : i32
    %dma_wait3A_48 = tpu.memref_slice %arg5[%mul3A_2] : memref<320000xf32, #tpu.memory_space<hbm>> -> memref<10000xf32, #tpu.memory_space<hbm>>
    %dma_wait3A_49 = tpu.memref_slice %arg11[%dma_wait3A_47] : memref<5x!tpu.dma_semaphore, #tpu.memory_space<semaphore_mem>> -> memref<1x!tpu.dma_semaphore, #tpu.memory_space<semaphore_mem>>
    %dma_wait3A_50 = tpu.memref_squeeze %dma_wait3A_49 : memref<1x!tpu.dma_semaphore, #tpu.memory_space<semaphore_mem>> -> memref<!tpu.dma_semaphore, #tpu.memory_space<semaphore_mem>>
    %dma_wait3A_51 = tpu.memref_slice %arg5[%mul3A_2] : memref<320000xf32, #tpu.memory_space<hbm>> -> memref<10000xf32, #tpu.memory_space<hbm>>
    tpu.wait_dma2 semaphore(%dma_wait3A_50 : memref<!tpu.dma_semaphore, #tpu.memory_space<semaphore_mem>>) src(%dma_wait3A_51 : memref<10000xf32, #tpu.memory_space<hbm>>) dst(%arg10 : memref<10000xf32, #tpu.memory_space<vmem>>)
    %broadcast_in_dim3A_52 = arith.constant 1.000000e+00 : f32
    %broadcast_in_dim3A_53 = vector.broadcast %broadcast_in_dim3A_52 : f32 to vector<16xf32>
    %parallel_loop3A = arith.constant 0 : i32
    %parallel_loop3A_54 = arith.constant 625 : i32
    %parallel_loop3A_55 = arith.constant 1 : i32
    scf.for %parallel_loop3A_120 = %parallel_loop3A to %parallel_loop3A_54 step %parallel_loop3A_55  : i32 {
      %parallel_loop3A_121 = arith.constant 16 : i32
      %parallel_loop3A_122 = arith.muli %parallel_loop3A_120, %parallel_loop3A_121 : i32
      %parallel_loop3A_123 = arith.index_cast %parallel_loop3A_122 : i32 to index
      %parallel_loop3A_124 = tpu.vector_load %arg8[%parallel_loop3A_123] {strides = array<i32>} : memref<10000xi32, #tpu.memory_space<vmem>>, vector<16xi32>,
      %parallel_loop3A_125 = arith.index_cast %parallel_loop3A_122 : i32 to index
      %parallel_loop3A_126 = tpu.vector_load %arg9[%parallel_loop3A_125] {strides = array<i32>} : memref<10000xi32, #tpu.memory_space<vmem>>, vector<16xi32>,
      %parallel_loop3A_127 = arith.index_cast %parallel_loop3A_122 : i32 to index
      %parallel_loop3A_128 = tpu.vector_load %arg10[%parallel_loop3A_127] {strides = array<i32>} : memref<10000xf32, #tpu.memory_space<vmem>>, vector<16xf32>,
      %parallel_loop3A_129 = tpu.vector_load_idx %arg7[%parallel_loop3A_124] : memref<20480xf32, #tpu.memory_space<vmem>>[vector<16xi32>], vector<16xf32>,
      %parallel_loop3A_130 = arith.constant 10240 : i32
      %parallel_loop3A_131 = vector.broadcast %parallel_loop3A_130 : i32 to vector<16xi32>
      %parallel_loop3A_132 = arith.addi %parallel_loop3A_124, %parallel_loop3A_131 : vector<16xi32>
      %parallel_loop3A_133 = tpu.vector_load_idx %arg7[%parallel_loop3A_132] : memref<20480xf32, #tpu.memory_space<vmem>>[vector<16xi32>], vector<16xf32>,
      %parallel_loop3A_134 = tpu.vector_load_idx %arg7[%parallel_loop3A_126] : memref<20480xf32, #tpu.memory_space<vmem>>[vector<16xi32>], vector<16xf32>,
      %parallel_loop3A_135 = arith.constant 10240 : i32
      %parallel_loop3A_136 = vector.broadcast %parallel_loop3A_135 : i32 to vector<16xi32>
      %parallel_loop3A_137 = arith.addi %parallel_loop3A_126, %parallel_loop3A_136 : vector<16xi32>
      %parallel_loop3A_138 = tpu.vector_load_idx %arg7[%parallel_loop3A_137] : memref<20480xf32, #tpu.memory_space<vmem>>[vector<16xi32>], vector<16xf32>,
      tpu.vector_store_idx %arg12[%parallel_loop3A_126], %parallel_loop3A_129 {add = true} : memref<10240xf32, #tpu.memory_space<vmem>>[vector<16xi32>], vector<16xf32>,
      %parallel_loop3A_139 = arith.mulf %parallel_loop3A_128, %parallel_loop3A_133 : vector<16xf32>
      tpu.vector_store_idx %arg13[%parallel_loop3A_126], %parallel_loop3A_139 {add = true} : memref<10240xf32, #tpu.memory_space<vmem>>[vector<16xi32>], vector<16xf32>,
      tpu.vector_store_idx %arg14[%parallel_loop3A_124], %parallel_loop3A_134 {add = true} : memref<10240xf32, #tpu.memory_space<vmem>>[vector<16xi32>], vector<16xf32>,
      %parallel_loop3A_140 = arith.mulf %parallel_loop3A_128, %parallel_loop3A_138 : vector<16xf32>
      tpu.vector_store_idx %arg15[%parallel_loop3A_124], %parallel_loop3A_140 {add = true} : memref<10240xf32, #tpu.memory_space<vmem>>[vector<16xi32>], vector<16xf32>,
    } {sc.loop_unroll_factor = 5 : i64, sc.parallel_access}
    %mul3A_56 = arith.constant 4 : i32
    %mul3A_57 = arith.muli %add3A, %mul3A_56 : i32
    %add3A_58 = arith.constant 0 : i32
    %add3A_59 = arith.addi %mul3A_57, %add3A_58 : i32
    %mul3A_60 = arith.constant 10240 : i32
    %mul3A_61 = arith.muli %add3A_59, %mul3A_60 : i32
    %mul3A_62 = arith.constant 4 : i32
    %mul3A_63 = arith.muli %add3A, %mul3A_62 : i32
    %add3A_64 = arith.constant 1 : i32
    %add3A_65 = arith.addi %mul3A_63, %add3A_64 : i32
    %mul3A_66 = arith.constant 10240 : i32
    %mul3A_67 = arith.muli %add3A_65, %mul3A_66 : i32
    %mul3A_68 = arith.constant 4 : i32
    %mul3A_69 = arith.muli %add3A, %mul3A_68 : i32
    %add3A_70 = arith.constant 2 : i32
    %add3A_71 = arith.addi %mul3A_69, %add3A_70 : i32
    %mul3A_72 = arith.constant 10240 : i32
    %mul3A_73 = arith.muli %add3A_71, %mul3A_72 : i32
    %mul3A_74 = arith.constant 4 : i32
    %mul3A_75 = arith.muli %add3A, %mul3A_74 : i32
    %add3A_76 = arith.constant 3 : i32
    %add3A_77 = arith.addi %mul3A_75, %add3A_76 : i32
    %mul3A_78 = arith.constant 10240 : i32
    %mul3A_79 = arith.muli %add3A_77, %mul3A_78 : i32
    %dma_start3A_80 = arith.constant 0 : i32
    %dma_start3A_81 = tpu.memref_slice %arg6[%mul3A_61] : memref<1310720xf32, #tpu.memory_space<hbm>> -> memref<10240xf32, #tpu.memory_space<hbm>>
    %dma_start3A_82 = tpu.memref_slice %arg11[%dma_start3A_80] : memref<5x!tpu.dma_semaphore, #tpu.memory_space<semaphore_mem>> -> memref<1x!tpu.dma_semaphore, #tpu.memory_space<semaphore_mem>>
    %dma_start3A_83 = tpu.memref_squeeze %dma_start3A_82 : memref<1x!tpu.dma_semaphore, #tpu.memory_space<semaphore_mem>> -> memref<!tpu.dma_semaphore, #tpu.memory_space<semaphore_mem>>
    %dma_start3A_84 = tpu.memref_slice %arg6[%mul3A_61] : memref<1310720xf32, #tpu.memory_space<hbm>> -> memref<10240xf32, #tpu.memory_space<hbm>>
    tpu.enqueue_dma source(%arg12 : memref<10240xf32, #tpu.memory_space<vmem>>) target(%dma_start3A_84 : memref<10240xf32, #tpu.memory_space<hbm>>) target_semaphore(%dma_start3A_83 : memref<!tpu.dma_semaphore, #tpu.memory_space<semaphore_mem>>)
    %dma_start3A_85 = arith.constant 1 : i32
    %dma_start3A_86 = tpu.memref_slice %arg6[%mul3A_67] : memref<1310720xf32, #tpu.memory_space<hbm>> -> memref<10240xf32, #tpu.memory_space<hbm>>
    %dma_start3A_87 = tpu.memref_slice %arg11[%dma_start3A_85] : memref<5x!tpu.dma_semaphore, #tpu.memory_space<semaphore_mem>> -> memref<1x!tpu.dma_semaphore, #tpu.memory_space<semaphore_mem>>
    %dma_start3A_88 = tpu.memref_squeeze %dma_start3A_87 : memref<1x!tpu.dma_semaphore, #tpu.memory_space<semaphore_mem>> -> memref<!tpu.dma_semaphore, #tpu.memory_space<semaphore_mem>>
    %dma_start3A_89 = tpu.memref_slice %arg6[%mul3A_67] : memref<1310720xf32, #tpu.memory_space<hbm>> -> memref<10240xf32, #tpu.memory_space<hbm>>
    tpu.enqueue_dma source(%arg13 : memref<10240xf32, #tpu.memory_space<vmem>>) target(%dma_start3A_89 : memref<10240xf32, #tpu.memory_space<hbm>>) target_semaphore(%dma_start3A_88 : memref<!tpu.dma_semaphore, #tpu.memory_space<semaphore_mem>>)
    %dma_start3A_90 = arith.constant 2 : i32
    %dma_start3A_91 = tpu.memref_slice %arg6[%mul3A_73] : memref<1310720xf32, #tpu.memory_space<hbm>> -> memref<10240xf32, #tpu.memory_space<hbm>>
    %dma_start3A_92 = tpu.memref_slice %arg11[%dma_start3A_90] : memref<5x!tpu.dma_semaphore, #tpu.memory_space<semaphore_mem>> -> memref<1x!tpu.dma_semaphore, #tpu.memory_space<semaphore_mem>>
    %dma_start3A_93 = tpu.memref_squeeze %dma_start3A_92 : memref<1x!tpu.dma_semaphore, #tpu.memory_space<semaphore_mem>> -> memref<!tpu.dma_semaphore, #tpu.memory_space<semaphore_mem>>
    %dma_start3A_94 = tpu.memref_slice %arg6[%mul3A_73] : memref<1310720xf32, #tpu.memory_space<hbm>> -> memref<10240xf32, #tpu.memory_space<hbm>>
    tpu.enqueue_dma source(%arg14 : memref<10240xf32, #tpu.memory_space<vmem>>) target(%dma_start3A_94 : memref<10240xf32, #tpu.memory_space<hbm>>) target_semaphore(%dma_start3A_93 : memref<!tpu.dma_semaphore, #tpu.memory_space<semaphore_mem>>)
    %dma_start3A_95 = arith.constant 3 : i32
    %dma_start3A_96 = tpu.memref_slice %arg6[%mul3A_79] : memref<1310720xf32, #tpu.memory_space<hbm>> -> memref<10240xf32, #tpu.memory_space<hbm>>
    %dma_start3A_97 = tpu.memref_slice %arg11[%dma_start3A_95] : memref<5x!tpu.dma_semaphore, #tpu.memory_space<semaphore_mem>> -> memref<1x!tpu.dma_semaphore, #tpu.memory_space<semaphore_mem>>
    %dma_start3A_98 = tpu.memref_squeeze %dma_start3A_97 : memref<1x!tpu.dma_semaphore, #tpu.memory_space<semaphore_mem>> -> memref<!tpu.dma_semaphore, #tpu.memory_space<semaphore_mem>>
    %dma_start3A_99 = tpu.memref_slice %arg6[%mul3A_79] : memref<1310720xf32, #tpu.memory_space<hbm>> -> memref<10240xf32, #tpu.memory_space<hbm>>
    tpu.enqueue_dma source(%arg15 : memref<10240xf32, #tpu.memory_space<vmem>>) target(%dma_start3A_99 : memref<10240xf32, #tpu.memory_space<hbm>>) target_semaphore(%dma_start3A_98 : memref<!tpu.dma_semaphore, #tpu.memory_space<semaphore_mem>>)
    %dma_wait3A_100 = arith.constant 0 : i32
    %dma_wait3A_101 = tpu.memref_slice %arg6[%mul3A_61] : memref<1310720xf32, #tpu.memory_space<hbm>> -> memref<10240xf32, #tpu.memory_space<hbm>>
    %dma_wait3A_102 = tpu.memref_slice %arg11[%dma_wait3A_100] : memref<5x!tpu.dma_semaphore, #tpu.memory_space<semaphore_mem>> -> memref<1x!tpu.dma_semaphore, #tpu.memory_space<semaphore_mem>>
    %dma_wait3A_103 = tpu.memref_squeeze %dma_wait3A_102 : memref<1x!tpu.dma_semaphore, #tpu.memory_space<semaphore_mem>> -> memref<!tpu.dma_semaphore, #tpu.memory_space<semaphore_mem>>
    %dma_wait3A_104 = tpu.memref_slice %arg6[%mul3A_61] : memref<1310720xf32, #tpu.memory_space<hbm>> -> memref<10240xf32, #tpu.memory_space<hbm>>
    tpu.wait_dma2 semaphore(%dma_wait3A_103 : memref<!tpu.dma_semaphore, #tpu.memory_space<semaphore_mem>>) src(%arg12 : memref<10240xf32, #tpu.memory_space<vmem>>) dst(%dma_wait3A_104 : memref<10240xf32, #tpu.memory_space<hbm>>)
    %dma_wait3A_105 = arith.constant 1 : i32
    %dma_wait3A_106 = tpu.memref_slice %arg6[%mul3A_67] : memref<1310720xf32, #tpu.memory_space<hbm>> -> memref<10240xf32, #tpu.memory_space<hbm>>
    %dma_wait3A_107 = tpu.memref_slice %arg11[%dma_wait3A_105] : memref<5x!tpu.dma_semaphore, #tpu.memory_space<semaphore_mem>> -> memref<1x!tpu.dma_semaphore, #tpu.memory_space<semaphore_mem>>
    %dma_wait3A_108 = tpu.memref_squeeze %dma_wait3A_107 : memref<1x!tpu.dma_semaphore, #tpu.memory_space<semaphore_mem>> -> memref<!tpu.dma_semaphore, #tpu.memory_space<semaphore_mem>>
    %dma_wait3A_109 = tpu.memref_slice %arg6[%mul3A_67] : memref<1310720xf32, #tpu.memory_space<hbm>> -> memref<10240xf32, #tpu.memory_space<hbm>>
    tpu.wait_dma2 semaphore(%dma_wait3A_108 : memref<!tpu.dma_semaphore, #tpu.memory_space<semaphore_mem>>) src(%arg13 : memref<10240xf32, #tpu.memory_space<vmem>>) dst(%dma_wait3A_109 : memref<10240xf32, #tpu.memory_space<hbm>>)
    %dma_wait3A_110 = arith.constant 2 : i32
    %dma_wait3A_111 = tpu.memref_slice %arg6[%mul3A_73] : memref<1310720xf32, #tpu.memory_space<hbm>> -> memref<10240xf32, #tpu.memory_space<hbm>>
    %dma_wait3A_112 = tpu.memref_slice %arg11[%dma_wait3A_110] : memref<5x!tpu.dma_semaphore, #tpu.memory_space<semaphore_mem>> -> memref<1x!tpu.dma_semaphore, #tpu.memory_space<semaphore_mem>>
    %dma_wait3A_113 = tpu.memref_squeeze %dma_wait3A_112 : memref<1x!tpu.dma_semaphore, #tpu.memory_space<semaphore_mem>> -> memref<!tpu.dma_semaphore, #tpu.memory_space<semaphore_mem>>
    %dma_wait3A_114 = tpu.memref_slice %arg6[%mul3A_73] : memref<1310720xf32, #tpu.memory_space<hbm>> -> memref<10240xf32, #tpu.memory_space<hbm>>
    tpu.wait_dma2 semaphore(%dma_wait3A_113 : memref<!tpu.dma_semaphore, #tpu.memory_space<semaphore_mem>>) src(%arg14 : memref<10240xf32, #tpu.memory_space<vmem>>) dst(%dma_wait3A_114 : memref<10240xf32, #tpu.memory_space<hbm>>)
    %dma_wait3A_115 = arith.constant 3 : i32
    %dma_wait3A_116 = tpu.memref_slice %arg6[%mul3A_79] : memref<1310720xf32, #tpu.memory_space<hbm>> -> memref<10240xf32, #tpu.memory_space<hbm>>
    %dma_wait3A_117 = tpu.memref_slice %arg11[%dma_wait3A_115] : memref<5x!tpu.dma_semaphore, #tpu.memory_space<semaphore_mem>> -> memref<1x!tpu.dma_semaphore, #tpu.memory_space<semaphore_mem>>
    %dma_wait3A_118 = tpu.memref_squeeze %dma_wait3A_117 : memref<1x!tpu.dma_semaphore, #tpu.memory_space<semaphore_mem>> -> memref<!tpu.dma_semaphore, #tpu.memory_space<semaphore_mem>>
    %dma_wait3A_119 = tpu.memref_slice %arg6[%mul3A_79] : memref<1310720xf32, #tpu.memory_space<hbm>> -> memref<10240xf32, #tpu.memory_space<hbm>>
    tpu.wait_dma2 semaphore(%dma_wait3A_118 : memref<!tpu.dma_semaphore, #tpu.memory_space<semaphore_mem>>) src(%arg15 : memref<10240xf32, #tpu.memory_space<vmem>>) dst(%dma_wait3A_119 : memref<10240xf32, #tpu.memory_space<hbm>>)
    return
  }
}

module attributes {stable_mosaic.version = 14 : i64} {
  func.func @_scoring_body(%arg0: memref<10000x128xf32, #tpu.memory_space<vmem>>, %arg1: memref<128x64xf32, #tpu.memory_space<vmem>>, %arg2: memref<64xf32, #tpu.memory_space<vmem>>, %arg3: memref<64xf32, #tpu.memory_space<vmem>>, %arg4: memref<64xf32, #tpu.memory_space<vmem>>, %arg5: memref<64x32xf32, #tpu.memory_space<vmem>>, %arg6: memref<32xf32, #tpu.memory_space<vmem>>, %arg7: memref<32xf32, #tpu.memory_space<vmem>>, %arg8: memref<32xf32, #tpu.memory_space<vmem>>, %arg9: memref<32x1xf32, #tpu.memory_space<vmem>>, %arg10: memref<1xf32, #tpu.memory_space<vmem>>, %arg11: memref<1x30720xf32, #tpu.memory_space<vmem>>) attributes {dimension_semantics = [], scalar_prefetch = 0 : i64, scratch_operands = 0 : i64, tpu.core_type = #tpu.core_type<tc>} {
    %get3A = arith.constant 0 : index
    %get3A_0 = arith.constant 0 : index
    %get3A_1 = vector.load %arg0[%get3A, %get3A_0] : memref<10000x128xf32, #tpu.memory_space<vmem>>, vector<10000x128xf32>
    %get3A_2 = arith.constant 0 : index
    %get3A_3 = arith.constant 0 : index
    %get3A_4 = vector.load %arg1[%get3A_2, %get3A_3] : memref<128x64xf32, #tpu.memory_space<vmem>>, vector<128x64xf32>
    %dot_general3A = arith.constant dense<0.000000e+00> : vector<10000x64xf32>
    %dot_general3A_5 = tpu.matmul %get3A_1, %get3A_4, %dot_general3A {dimension_numbers = #tpu.dot_dimension_numbers<[1], [0], [0], [1], [0, 0, 1, 1], [], []>, transpose_lhs_hint = false} : vector<10000x128xf32>, vector<128x64xf32>, vector<10000x64xf32> -> vector<10000x64xf32>
    %get3A_6 = arith.constant 0 : index
    %get3A_7 = vector.load %arg2[%get3A_6] : memref<64xf32, #tpu.memory_space<vmem>>, vector<64xf32>
    %broadcast_in_dim3A = vector.shape_cast %get3A_7 : vector<64xf32> to vector<1x64xf32>
    %add3A = vector.broadcast %broadcast_in_dim3A : vector<1x64xf32> to vector<10000x64xf32>
    %add3A_8 = arith.addf %dot_general3A_5, %add3A : vector<10000x64xf32>
    %get3A_9 = arith.constant 0 : index
    %get3A_10 = vector.load %arg3[%get3A_9] : memref<64xf32, #tpu.memory_space<vmem>>, vector<64xf32>
    %get3A_11 = arith.constant 0 : index
    %get3A_12 = vector.load %arg4[%get3A_11] : memref<64xf32, #tpu.memory_space<vmem>>, vector<64xf32>
    %broadcast_in_dim3A_13 = arith.constant 1.000000e+00 : f32
    %broadcast_in_dim3A_14 = vector.broadcast %broadcast_in_dim3A_13 : f32 to vector<1x10000xf32>
    %dot_general3A_15 = arith.constant dense<0.000000e+00> : vector<1x64xf32>
    %dot_general3A_16 = tpu.matmul %broadcast_in_dim3A_14, %add3A_8, %dot_general3A_15 {dimension_numbers = #tpu.dot_dimension_numbers<[1], [0], [0], [1], [0, 0, 1, 1], [], []>, transpose_lhs_hint = false} : vector<1x10000xf32>, vector<10000x64xf32>, vector<1x64xf32> -> vector<1x64xf32>
    %mul3A = arith.mulf %add3A_8, %add3A_8 : vector<10000x64xf32>
    %dot_general3A_17 = arith.constant dense<0.000000e+00> : vector<1x64xf32>
    %dot_general3A_18 = tpu.matmul %broadcast_in_dim3A_14, %mul3A, %dot_general3A_17 {dimension_numbers = #tpu.dot_dimension_numbers<[1], [0], [0], [1], [0, 0, 1, 1], [], []>, transpose_lhs_hint = false} : vector<1x10000xf32>, vector<10000x64xf32>, vector<1x64xf32> -> vector<1x64xf32>
    %mul3A_19 = arith.constant 9.99999974E-5 : f32
    %mul3A_20 = vector.broadcast %mul3A_19 : f32 to vector<1x64xf32>
    %mul3A_21 = arith.mulf %dot_general3A_16, %mul3A_20 : vector<1x64xf32>
    %mul3A_22 = arith.constant 9.99999974E-5 : f32
    %mul3A_23 = vector.broadcast %mul3A_22 : f32 to vector<1x64xf32>
    %mul3A_24 = arith.mulf %dot_general3A_18, %mul3A_23 : vector<1x64xf32>
    %mul3A_25 = arith.mulf %mul3A_21, %mul3A_21 : vector<1x64xf32>
    %sub3A = arith.subf %mul3A_24, %mul3A_25 : vector<1x64xf32>
    %sub3A_26 = vector.broadcast %mul3A_21 : vector<1x64xf32> to vector<10000x64xf32>
    %sub3A_27 = arith.subf %add3A_8, %sub3A_26 : vector<10000x64xf32>
    %add3A_28 = arith.constant 9.99999974E-6 : f32
    %add3A_29 = vector.broadcast %add3A_28 : f32 to vector<1x64xf32>
    %add3A_30 = arith.addf %sub3A, %add3A_29 : vector<1x64xf32>
    %sqrt3A = math.sqrt %add3A_30 : vector<1x64xf32>
    %div3A = vector.broadcast %sqrt3A : vector<1x64xf32> to vector<10000x64xf32>
    %div3A_31 = arith.divf %sub3A_27, %div3A : vector<10000x64xf32>
    %broadcast_in_dim3A_32 = vector.shape_cast %get3A_10 : vector<64xf32> to vector<1x64xf32>
    %mul3A_33 = vector.broadcast %broadcast_in_dim3A_32 : vector<1x64xf32> to vector<10000x64xf32>
    %mul3A_34 = arith.mulf %div3A_31, %mul3A_33 : vector<10000x64xf32>
    %broadcast_in_dim3A_35 = vector.shape_cast %get3A_12 : vector<64xf32> to vector<1x64xf32>
    %add3A_36 = vector.broadcast %broadcast_in_dim3A_35 : vector<1x64xf32> to vector<10000x64xf32>
    %add3A_37 = arith.addf %mul3A_34, %add3A_36 : vector<10000x64xf32>
    %gt3A = arith.constant 0.000000e+00 : f32
    %gt3A_38 = vector.broadcast %gt3A : f32 to vector<10000x64xf32>
    %gt3A_39 = arith.cmpf ogt, %add3A_37, %gt3A_38 : vector<10000x64xf32>
    %mul3A_40 = arith.constant 2.000000e-01 : f32
    %mul3A_41 = vector.broadcast %mul3A_40 : f32 to vector<10000x64xf32>
    %mul3A_42 = arith.mulf %mul3A_41, %add3A_37 : vector<10000x64xf32>
    %select_n3A = arith.select %gt3A_39, %add3A_37, %mul3A_42 : vector<10000x64xi1>, vector<10000x64xf32>
    %get3A_43 = arith.constant 0 : index
    %get3A_44 = arith.constant 0 : index
    %get3A_45 = vector.load %arg5[%get3A_43, %get3A_44] : memref<64x32xf32, #tpu.memory_space<vmem>>, vector<64x32xf32>
    %dot_general3A_46 = arith.constant dense<0.000000e+00> : vector<10000x32xf32>
    %dot_general3A_47 = tpu.matmul %select_n3A, %get3A_45, %dot_general3A_46 {dimension_numbers = #tpu.dot_dimension_numbers<[1], [0], [0], [1], [0, 0, 1, 1], [], []>, transpose_lhs_hint = false} : vector<10000x64xf32>, vector<64x32xf32>, vector<10000x32xf32> -> vector<10000x32xf32>
    %get3A_48 = arith.constant 0 : index
    %get3A_49 = vector.load %arg6[%get3A_48] : memref<32xf32, #tpu.memory_space<vmem>>, vector<32xf32>
    %broadcast_in_dim3A_50 = vector.shape_cast %get3A_49 : vector<32xf32> to vector<1x32xf32>
    %add3A_51 = vector.broadcast %broadcast_in_dim3A_50 : vector<1x32xf32> to vector<10000x32xf32>
    %add3A_52 = arith.addf %dot_general3A_47, %add3A_51 : vector<10000x32xf32>
    %get3A_53 = arith.constant 0 : index
    %get3A_54 = vector.load %arg7[%get3A_53] : memref<32xf32, #tpu.memory_space<vmem>>, vector<32xf32>
    %get3A_55 = arith.constant 0 : index
    %get3A_56 = vector.load %arg8[%get3A_55] : memref<32xf32, #tpu.memory_space<vmem>>, vector<32xf32>
    %broadcast_in_dim3A_57 = arith.constant 1.000000e+00 : f32
    %broadcast_in_dim3A_58 = vector.broadcast %broadcast_in_dim3A_57 : f32 to vector<1x10000xf32>
    %dot_general3A_59 = arith.constant dense<0.000000e+00> : vector<1x32xf32>
    %dot_general3A_60 = tpu.matmul %broadcast_in_dim3A_58, %add3A_52, %dot_general3A_59 {dimension_numbers = #tpu.dot_dimension_numbers<[1], [0], [0], [1], [0, 0, 1, 1], [], []>, transpose_lhs_hint = false} : vector<1x10000xf32>, vector<10000x32xf32>, vector<1x32xf32> -> vector<1x32xf32>
    %mul3A_61 = arith.mulf %add3A_52, %add3A_52 : vector<10000x32xf32>
    %dot_general3A_62 = arith.constant dense<0.000000e+00> : vector<1x32xf32>
    %dot_general3A_63 = tpu.matmul %broadcast_in_dim3A_58, %mul3A_61, %dot_general3A_62 {dimension_numbers = #tpu.dot_dimension_numbers<[1], [0], [0], [1], [0, 0, 1, 1], [], []>, transpose_lhs_hint = false} : vector<1x10000xf32>, vector<10000x32xf32>, vector<1x32xf32> -> vector<1x32xf32>
    %mul3A_64 = arith.constant 9.99999974E-5 : f32
    %mul3A_65 = vector.broadcast %mul3A_64 : f32 to vector<1x32xf32>
    %mul3A_66 = arith.mulf %dot_general3A_60, %mul3A_65 : vector<1x32xf32>
    %mul3A_67 = arith.constant 9.99999974E-5 : f32
    %mul3A_68 = vector.broadcast %mul3A_67 : f32 to vector<1x32xf32>
    %mul3A_69 = arith.mulf %dot_general3A_63, %mul3A_68 : vector<1x32xf32>
    %mul3A_70 = arith.mulf %mul3A_66, %mul3A_66 : vector<1x32xf32>
    %sub3A_71 = arith.subf %mul3A_69, %mul3A_70 : vector<1x32xf32>
    %sub3A_72 = vector.broadcast %mul3A_66 : vector<1x32xf32> to vector<10000x32xf32>
    %sub3A_73 = arith.subf %add3A_52, %sub3A_72 : vector<10000x32xf32>
    %add3A_74 = arith.constant 9.99999974E-6 : f32
    %add3A_75 = vector.broadcast %add3A_74 : f32 to vector<1x32xf32>
    %add3A_76 = arith.addf %sub3A_71, %add3A_75 : vector<1x32xf32>
    %sqrt3A_77 = math.sqrt %add3A_76 : vector<1x32xf32>
    %div3A_78 = vector.broadcast %sqrt3A_77 : vector<1x32xf32> to vector<10000x32xf32>
    %div3A_79 = arith.divf %sub3A_73, %div3A_78 : vector<10000x32xf32>
    %broadcast_in_dim3A_80 = vector.shape_cast %get3A_54 : vector<32xf32> to vector<1x32xf32>
    %mul3A_81 = vector.broadcast %broadcast_in_dim3A_80 : vector<1x32xf32> to vector<10000x32xf32>
    %mul3A_82 = arith.mulf %div3A_79, %mul3A_81 : vector<10000x32xf32>
    %broadcast_in_dim3A_83 = vector.shape_cast %get3A_56 : vector<32xf32> to vector<1x32xf32>
    %add3A_84 = vector.broadcast %broadcast_in_dim3A_83 : vector<1x32xf32> to vector<10000x32xf32>
    %add3A_85 = arith.addf %mul3A_82, %add3A_84 : vector<10000x32xf32>
    %gt3A_86 = arith.constant 0.000000e+00 : f32
    %gt3A_87 = vector.broadcast %gt3A_86 : f32 to vector<10000x32xf32>
    %gt3A_88 = arith.cmpf ogt, %add3A_85, %gt3A_87 : vector<10000x32xf32>
    %mul3A_89 = arith.constant 2.000000e-01 : f32
    %mul3A_90 = vector.broadcast %mul3A_89 : f32 to vector<10000x32xf32>
    %mul3A_91 = arith.mulf %mul3A_90, %add3A_85 : vector<10000x32xf32>
    %select_n3A_92 = arith.select %gt3A_88, %add3A_85, %mul3A_91 : vector<10000x32xi1>, vector<10000x32xf32>
    %get3A_93 = arith.constant 0 : index
    %get3A_94 = arith.constant 0 : index
    %get3A_95 = vector.load %arg9[%get3A_93, %get3A_94] : memref<32x1xf32, #tpu.memory_space<vmem>>, vector<32x1xf32>
    %dot_general3A_96 = arith.constant dense<0.000000e+00> : vector<10000x1xf32>
    %dot_general3A_97 = tpu.matmul %select_n3A_92, %get3A_95, %dot_general3A_96 {dimension_numbers = #tpu.dot_dimension_numbers<[1], [0], [0], [1], [0, 0, 1, 1], [], []>, transpose_lhs_hint = false} : vector<10000x32xf32>, vector<32x1xf32>, vector<10000x1xf32> -> vector<10000x1xf32>
    %get3A_98 = arith.constant 0 : index
    %get3A_99 = vector.load %arg10[%get3A_98] : memref<1xf32, #tpu.memory_space<vmem>>, vector<1xf32>
    %broadcast_in_dim3A_100 = vector.shape_cast %get3A_99 : vector<1xf32> to vector<1x1xf32>
    %add3A_101 = vector.broadcast %broadcast_in_dim3A_100 : vector<1x1xf32> to vector<10000x1xf32>
    %add3A_102 = arith.addf %dot_general3A_97, %add3A_101 : vector<10000x1xf32>
    %transpose3A = tpu.transpose %add3A_102, [1, 0] : vector<10000x1xf32> -> vector<1x10000xf32>
    %exp3A = math.exp %transpose3A : vector<1x10000xf32>
    %broadcast_in_dim3A_103 = arith.constant 0.000000e+00 : f32
    %broadcast_in_dim3A_104 = vector.broadcast %broadcast_in_dim3A_103 : f32 to vector<1x240xf32>
    %swap3A = arith.constant 0 : index
    %swap3A_105 = arith.constant 0 : index
    %swap3A_106 = vector.load %arg11[%swap3A, %swap3A_105] : memref<1x30720xf32, #tpu.memory_space<vmem>>, vector<1x10000xf32>
    tpu.vector_store %arg11[%swap3A, %swap3A_105], %transpose3A {strides = array<i32>} : memref<1x30720xf32, #tpu.memory_space<vmem>>, vector<1x10000xf32>,
    %swap3A_107 = arith.constant 0 : index
    %swap3A_108 = arith.constant 10000 : index
    %swap3A_109 = vector.load %arg11[%swap3A_107, %swap3A_108] : memref<1x30720xf32, #tpu.memory_space<vmem>>, vector<1x240xf32>
    tpu.vector_store %arg11[%swap3A_107, %swap3A_108], %broadcast_in_dim3A_104 {strides = array<i32>} : memref<1x30720xf32, #tpu.memory_space<vmem>>, vector<1x240xf32>,
    %swap3A_110 = arith.constant 0 : index
    %swap3A_111 = arith.constant 10240 : index
    %swap3A_112 = vector.load %arg11[%swap3A_110, %swap3A_111] : memref<1x30720xf32, #tpu.memory_space<vmem>>, vector<1x10000xf32>
    tpu.vector_store %arg11[%swap3A_110, %swap3A_111], %exp3A {strides = array<i32>} : memref<1x30720xf32, #tpu.memory_space<vmem>>, vector<1x10000xf32>,
    %swap3A_113 = arith.constant 0 : index
    %swap3A_114 = arith.constant 20240 : index
    %swap3A_115 = vector.load %arg11[%swap3A_113, %swap3A_114] : memref<1x30720xf32, #tpu.memory_space<vmem>>, vector<1x240xf32>
    tpu.vector_store %arg11[%swap3A_113, %swap3A_114], %broadcast_in_dim3A_104 {strides = array<i32>} : memref<1x30720xf32, #tpu.memory_space<vmem>>, vector<1x240xf32>,
    %mul3A_116 = arith.mulf %exp3A, %transpose3A : vector<1x10000xf32>
    %swap3A_117 = arith.constant 0 : index
    %swap3A_118 = arith.constant 20480 : index
    %swap3A_119 = vector.load %arg11[%swap3A_117, %swap3A_118] : memref<1x30720xf32, #tpu.memory_space<vmem>>, vector<1x10000xf32>
    tpu.vector_store %arg11[%swap3A_117, %swap3A_118], %mul3A_116 {strides = array<i32>} : memref<1x30720xf32, #tpu.memory_space<vmem>>, vector<1x10000xf32>,
    %swap3A_120 = arith.constant 0 : index
    %swap3A_121 = arith.constant 30480 : index
    %swap3A_122 = vector.load %arg11[%swap3A_120, %swap3A_121] : memref<1x30720xf32, #tpu.memory_space<vmem>>, vector<1x240xf32>
    tpu.vector_store %arg11[%swap3A_120, %swap3A_121], %broadcast_in_dim3A_104 {strides = array<i32>} : memref<1x30720xf32, #tpu.memory_space<vmem>>, vector<1x240xf32>,
    return
  }
}

module attributes {stable_mosaic.version = 14 : i64} {
  func.func @_node_body(%arg0: i32, %arg1: memref<655360xf32, #tpu.memory_space<vmem>>, %arg2: memref<1x30720xf32, #tpu.memory_space<vmem>>, %arg3: memref<1x30720xf32, #tpu.memory_space<vmem>>, %arg4: memref<3x24xf32, #tpu.memory_space<vmem>>, %arg5: memref<24xf32, #tpu.memory_space<vmem>>, %arg6: memref<24xf32, #tpu.memory_space<vmem>>, %arg7: memref<24xf32, #tpu.memory_space<vmem>>, %arg8: memref<24x12xf32, #tpu.memory_space<vmem>>, %arg9: memref<12xf32, #tpu.memory_space<vmem>>, %arg10: memref<12x1xf32, #tpu.memory_space<vmem>>, %arg11: memref<1xf32, #tpu.memory_space<vmem>>, %arg12: memref<1x4xf32, #tpu.memory_space<vmem>>, %arg13: memref<1x10240xf32, #tpu.memory_space<vmem>>, %arg14: memref<1x10000xf32, #tpu.memory_space<vmem>>, %arg15: memref<40960xf32, #tpu.memory_space<vmem>>) attributes {dimension_semantics = [#tpu.dimension_semantics<arbitrary>], iteration_bounds = array<i64: 2>, scalar_prefetch = 0 : i64, scratch_operands = 1 : i64, tpu.core_type = #tpu.core_type<tc>, window_params = [{transform_indices = @transform_0, window_bounds = array<i64: 655360>}, {pipeline_mode = #tpu.pipeline_mode<synchronous>, transform_indices = @transform_1, window_bounds = array<i64: 1, 30720>}, {pipeline_mode = #tpu.pipeline_mode<synchronous>, transform_indices = @transform_2, window_bounds = array<i64: 1, 30720>}, {pipeline_mode = #tpu.pipeline_mode<synchronous>, transform_indices = @transform_3, window_bounds = array<i64: 3, 24>}, {pipeline_mode = #tpu.pipeline_mode<synchronous>, transform_indices = @transform_4, window_bounds = array<i64: 24>}, {pipeline_mode = #tpu.pipeline_mode<synchronous>, transform_indices = @transform_5, window_bounds = array<i64: 24>}, {pipeline_mode = #tpu.pipeline_mode<synchronous>, transform_indices = @transform_6, window_bounds = array<i64: 24>}, {pipeline_mode = #tpu.pipeline_mode<synchronous>, transform_indices = @transform_7, window_bounds = array<i64: 24, 12>}, {pipeline_mode = #tpu.pipeline_mode<synchronous>, transform_indices = @transform_8, window_bounds = array<i64: 12>}, {pipeline_mode = #tpu.pipeline_mode<synchronous>, transform_indices = @transform_9, window_bounds = array<i64: 12, 1>}, {pipeline_mode = #tpu.pipeline_mode<synchronous>, transform_indices = @transform_10, window_bounds = array<i64: 1>}, {pipeline_mode = #tpu.pipeline_mode<synchronous>, transform_indices = @transform_11, window_bounds = array<i64: 1, 4>}, {pipeline_mode = #tpu.pipeline_mode<synchronous>, transform_indices = @transform_12, window_bounds = array<i64: 1, 10240>}, {pipeline_mode = #tpu.pipeline_mode<synchronous>, transform_indices = @transform_13, window_bounds = array<i64: 1, 10000>}]} {
    %get3A = arith.constant 0 : index
    %get3A_0 = vector.load %arg1[%get3A] : memref<655360xf32, #tpu.memory_space<vmem>>, vector<40960xf32>
    %get3A_1 = arith.constant 40960 : index
    %get3A_2 = vector.load %arg1[%get3A_1] : memref<655360xf32, #tpu.memory_space<vmem>>, vector<40960xf32>
    %add3A = arith.addf %get3A_0, %get3A_2 : vector<40960xf32>
    %get3A_3 = arith.constant 81920 : index
    %get3A_4 = vector.load %arg1[%get3A_3] : memref<655360xf32, #tpu.memory_space<vmem>>, vector<40960xf32>
    %add3A_5 = arith.addf %add3A, %get3A_4 : vector<40960xf32>
    %get3A_6 = arith.constant 122880 : index
    %get3A_7 = vector.load %arg1[%get3A_6] : memref<655360xf32, #tpu.memory_space<vmem>>, vector<40960xf32>
    %add3A_8 = arith.addf %add3A_5, %get3A_7 : vector<40960xf32>
    %get3A_9 = arith.constant 163840 : index
    %get3A_10 = vector.load %arg1[%get3A_9] : memref<655360xf32, #tpu.memory_space<vmem>>, vector<40960xf32>
    %add3A_11 = arith.addf %add3A_8, %get3A_10 : vector<40960xf32>
    %get3A_12 = arith.constant 204800 : index
    %get3A_13 = vector.load %arg1[%get3A_12] : memref<655360xf32, #tpu.memory_space<vmem>>, vector<40960xf32>
    %add3A_14 = arith.addf %add3A_11, %get3A_13 : vector<40960xf32>
    %get3A_15 = arith.constant 245760 : index
    %get3A_16 = vector.load %arg1[%get3A_15] : memref<655360xf32, #tpu.memory_space<vmem>>, vector<40960xf32>
    %add3A_17 = arith.addf %add3A_14, %get3A_16 : vector<40960xf32>
    %get3A_18 = arith.constant 286720 : index
    %get3A_19 = vector.load %arg1[%get3A_18] : memref<655360xf32, #tpu.memory_space<vmem>>, vector<40960xf32>
    %add3A_20 = arith.addf %add3A_17, %get3A_19 : vector<40960xf32>
    %get3A_21 = arith.constant 327680 : index
    %get3A_22 = vector.load %arg1[%get3A_21] : memref<655360xf32, #tpu.memory_space<vmem>>, vector<40960xf32>
    %add3A_23 = arith.addf %add3A_20, %get3A_22 : vector<40960xf32>
    %get3A_24 = arith.constant 368640 : index
    %get3A_25 = vector.load %arg1[%get3A_24] : memref<655360xf32, #tpu.memory_space<vmem>>, vector<40960xf32>
    %add3A_26 = arith.addf %add3A_23, %get3A_25 : vector<40960xf32>
    %get3A_27 = arith.constant 409600 : index
    %get3A_28 = vector.load %arg1[%get3A_27] : memref<655360xf32, #tpu.memory_space<vmem>>, vector<40960xf32>
    %add3A_29 = arith.addf %add3A_26, %get3A_28 : vector<40960xf32>
    %get3A_30 = arith.constant 450560 : index
    %get3A_31 = vector.load %arg1[%get3A_30] : memref<655360xf32, #tpu.memory_space<vmem>>, vector<40960xf32>
    %add3A_32 = arith.addf %add3A_29, %get3A_31 : vector<40960xf32>
    %get3A_33 = arith.constant 491520 : index
    %get3A_34 = vector.load %arg1[%get3A_33] : memref<655360xf32, #tpu.memory_space<vmem>>, vector<40960xf32>
    %add3A_35 = arith.addf %add3A_32, %get3A_34 : vector<40960xf32>
    %get3A_36 = arith.constant 532480 : index
    %get3A_37 = vector.load %arg1[%get3A_36] : memref<655360xf32, #tpu.memory_space<vmem>>, vector<40960xf32>
    %add3A_38 = arith.addf %add3A_35, %get3A_37 : vector<40960xf32>
    %get3A_39 = arith.constant 573440 : index
    %get3A_40 = vector.load %arg1[%get3A_39] : memref<655360xf32, #tpu.memory_space<vmem>>, vector<40960xf32>
    %add3A_41 = arith.addf %add3A_38, %get3A_40 : vector<40960xf32>
    %get3A_42 = arith.constant 614400 : index
    %get3A_43 = vector.load %arg1[%get3A_42] : memref<655360xf32, #tpu.memory_space<vmem>>, vector<40960xf32>
    %add3A_44 = arith.addf %add3A_41, %get3A_43 : vector<40960xf32>
    %eq3A = arith.constant 0 : i32
    %eq3A_45 = arith.cmpi eq, %arg0, %eq3A : i32
    %convert_element_type3A = arith.extui %eq3A_45 : i1 to i32
    %cond3A = arith.constant 0 : i32
    %cond3A_46 = arith.cmpi ne, %convert_element_type3A, %cond3A : i32
    scf.if %cond3A_46 {
      %swap3A = arith.constant 0 : index
      %swap3A_56 = vector.load %arg15[%swap3A] : memref<40960xf32, #tpu.memory_space<vmem>>, vector<40960xf32>
      tpu.vector_store %arg15[%swap3A], %add3A_44 {strides = array<i32>} : memref<40960xf32, #tpu.memory_space<vmem>>, vector<40960xf32>,
    } else {
    }
    %gt3A = arith.constant 0 : i32
    %gt3A_47 = arith.cmpi sgt, %arg0, %gt3A : i32
    %convert_element_type3A_48 = arith.extui %gt3A_47 : i1 to i32
    %cond3A_49 = arith.constant 0 : i32
    %cond3A_50 = arith.cmpi ne, %convert_element_type3A_48, %cond3A_49 : i32
    scf.if %cond3A_50 {
      %get3A_56 = arith.constant 0 : index
      %get3A_57 = vector.load %arg15[%get3A_56] : memref<40960xf32, #tpu.memory_space<vmem>>, vector<40960xf32>
      %add3A_58 = arith.addf %get3A_57, %add3A_44 : vector<40960xf32>
      %swap3A = arith.constant 0 : index
      %swap3A_59 = vector.load %arg15[%swap3A] : memref<40960xf32, #tpu.memory_space<vmem>>, vector<40960xf32>
      tpu.vector_store %arg15[%swap3A], %add3A_58 {strides = array<i32>} : memref<40960xf32, #tpu.memory_space<vmem>>, vector<40960xf32>,
    } else {
    }
    %eq3A_51 = arith.constant 1 : i32
    %eq3A_52 = arith.cmpi eq, %arg0, %eq3A_51 : i32
    %convert_element_type3A_53 = arith.extui %eq3A_52 : i1 to i32
    %cond3A_54 = arith.constant 0 : i32
    %cond3A_55 = arith.cmpi ne, %convert_element_type3A_53, %cond3A_54 : i32
    scf.if %cond3A_55 {
      %get3A_56 = arith.constant 0 : index
      %get3A_57 = vector.load %arg15[%get3A_56] : memref<40960xf32, #tpu.memory_space<vmem>>, vector<40960xf32>
      %slice3A = vector.extract_strided_slice %get3A_57 {offsets = [0], sizes = [10240], strides = [1]} : vector<40960xf32> to vector<10240xf32>
      %reshape3A = vector.shape_cast %slice3A : vector<10240xf32> to vector<1x10240xf32>
      %slice3A_58 = vector.extract_strided_slice %get3A_57 {offsets = [10240], sizes = [10240], strides = [1]} : vector<40960xf32> to vector<10240xf32>
      %reshape3A_59 = vector.shape_cast %slice3A_58 : vector<10240xf32> to vector<1x10240xf32>
      %slice3A_60 = vector.extract_strided_slice %get3A_57 {offsets = [20480], sizes = [10240], strides = [1]} : vector<40960xf32> to vector<10240xf32>
      %reshape3A_61 = vector.shape_cast %slice3A_60 : vector<10240xf32> to vector<1x10240xf32>
      %slice3A_62 = vector.extract_strided_slice %get3A_57 {offsets = [30720], sizes = [10240], strides = [1]} : vector<40960xf32> to vector<10240xf32>
      %reshape3A_63 = vector.shape_cast %slice3A_62 : vector<10240xf32> to vector<1x10240xf32>
      %max3A = arith.constant 9.99999968E-21 : f32
      %max3A_64 = vector.broadcast %max3A : f32 to vector<1x10240xf32>
      %max3A_65 = arith.maximumf %reshape3A, %max3A_64 : vector<1x10240xf32>
      %div3A = arith.divf %reshape3A_59, %max3A_65 : vector<1x10240xf32>
      %max3A_66 = arith.constant 9.99999968E-21 : f32
      %max3A_67 = vector.broadcast %max3A_66 : f32 to vector<1x10240xf32>
      %max3A_68 = arith.maximumf %reshape3A_61, %max3A_67 : vector<1x10240xf32>
      %div3A_69 = arith.divf %reshape3A_63, %max3A_68 : vector<1x10240xf32>
      %get3A_70 = arith.constant 0 : index
      %get3A_71 = arith.constant 0 : index
      %get3A_72 = vector.load %arg2[%get3A_70, %get3A_71] : memref<1x30720xf32, #tpu.memory_space<vmem>>, vector<1x10240xf32>
      %iota3A = tpu.iota {dimensions = array<i32: 1>} : vector<1x10240xi32>
      %lt3A = arith.constant 10000 : i32
      %lt3A_73 = vector.broadcast %lt3A : i32 to vector<1x10240xi32>
      %lt3A_74 = arith.cmpi slt, %iota3A, %lt3A_73 : vector<1x10240xi32>
      %convert_element_type3A_75 = arith.extui %lt3A_74 : vector<1x10240xi1> to vector<1x10240xi32>
      %convert_element_type3A_76 = arith.sitofp %convert_element_type3A_75 : vector<1x10240xi32> to vector<1x10240xf32>
      %get3A_77 = arith.constant 0 : index
      %get3A_78 = arith.constant 0 : index
      %get3A_79 = vector.load %arg4[%get3A_77, %get3A_78] : memref<3x24xf32, #tpu.memory_space<vmem>>, vector<3x24xf32>
      %transpose3A = tpu.transpose %get3A_79, [1, 0] : vector<3x24xf32> -> vector<24x3xf32>
      %get3A_80 = arith.constant 0 : index
      %get3A_81 = vector.load %arg5[%get3A_80] : memref<24xf32, #tpu.memory_space<vmem>>, vector<24xf32>
      %reshape3A_82 = vector.shape_cast %get3A_81 : vector<24xf32> to vector<24x1xf32>
      %get3A_83 = arith.constant 0 : index
      %get3A_84 = vector.load %arg6[%get3A_83] : memref<24xf32, #tpu.memory_space<vmem>>, vector<24xf32>
      %reshape3A_85 = vector.shape_cast %get3A_84 : vector<24xf32> to vector<24x1xf32>
      %get3A_86 = arith.constant 0 : index
      %get3A_87 = vector.load %arg7[%get3A_86] : memref<24xf32, #tpu.memory_space<vmem>>, vector<24xf32>
      %reshape3A_88 = vector.shape_cast %get3A_87 : vector<24xf32> to vector<24x1xf32>
      %get3A_89 = arith.constant 0 : index
      %get3A_90 = arith.constant 0 : index
      %get3A_91 = vector.load %arg8[%get3A_89, %get3A_90] : memref<24x12xf32, #tpu.memory_space<vmem>>, vector<24x12xf32>
      %transpose3A_92 = tpu.transpose %get3A_91, [1, 0] : vector<24x12xf32> -> vector<12x24xf32>
      %get3A_93 = arith.constant 0 : index
      %get3A_94 = vector.load %arg9[%get3A_93] : memref<12xf32, #tpu.memory_space<vmem>>, vector<12xf32>
      %reshape3A_95 = vector.shape_cast %get3A_94 : vector<12xf32> to vector<12x1xf32>
      %get3A_96 = arith.constant 0 : index
      %get3A_97 = arith.constant 0 : index
      %get3A_98 = vector.load %arg10[%get3A_96, %get3A_97] : memref<12x1xf32, #tpu.memory_space<vmem>>, vector<12x1xf32>
      %transpose3A_99 = tpu.transpose %get3A_98, [1, 0] : vector<12x1xf32> -> vector<1x12xf32>
      %get3A_100 = arith.constant 0 : index
      %get3A_101 = vector.load %arg11[%get3A_100] : memref<1xf32, #tpu.memory_space<vmem>>, vector<1xf32>
      %reshape3A_102 = vector.shape_cast %get3A_101 : vector<1xf32> to vector<1x1xf32>
      %slice3A_103 = vector.extract_strided_slice %transpose3A {offsets = [0, 0], sizes = [24, 1], strides = [1, 1]} : vector<24x3xf32> to vector<24x1xf32>
      %mul3A = vector.broadcast %slice3A_103 : vector<24x1xf32> to vector<24x10240xf32>
      %mul3A_104 = vector.broadcast %get3A_72 : vector<1x10240xf32> to vector<24x10240xf32>
      %mul3A_105 = arith.mulf %mul3A, %mul3A_104 : vector<24x10240xf32>
      %slice3A_106 = vector.extract_strided_slice %transpose3A {offsets = [0, 1], sizes = [24, 1], strides = [1, 1]} : vector<24x3xf32> to vector<24x1xf32>
      %mul3A_107 = vector.broadcast %slice3A_106 : vector<24x1xf32> to vector<24x10240xf32>
      %mul3A_108 = vector.broadcast %div3A : vector<1x10240xf32> to vector<24x10240xf32>
      %mul3A_109 = arith.mulf %mul3A_107, %mul3A_108 : vector<24x10240xf32>
      %add3A_110 = arith.addf %mul3A_105, %mul3A_109 : vector<24x10240xf32>
      %slice3A_111 = vector.extract_strided_slice %transpose3A {offsets = [0, 2], sizes = [24, 1], strides = [1, 1]} : vector<24x3xf32> to vector<24x1xf32>
      %mul3A_112 = vector.broadcast %slice3A_111 : vector<24x1xf32> to vector<24x10240xf32>
      %mul3A_113 = vector.broadcast %div3A_69 : vector<1x10240xf32> to vector<24x10240xf32>
      %mul3A_114 = arith.mulf %mul3A_112, %mul3A_113 : vector<24x10240xf32>
      %add3A_115 = arith.addf %add3A_110, %mul3A_114 : vector<24x10240xf32>
      %add3A_116 = vector.broadcast %reshape3A_82 : vector<24x1xf32> to vector<24x10240xf32>
      %add3A_117 = arith.addf %add3A_115, %add3A_116 : vector<24x10240xf32>
      %mul3A_118 = vector.broadcast %convert_element_type3A_76 : vector<1x10240xf32> to vector<24x10240xf32>
      %mul3A_119 = arith.mulf %add3A_117, %mul3A_118 : vector<24x10240xf32>
      %reduce_sum3A = arith.constant dense<0.000000e+00> : vector<24xf32>
      %reduce_sum3A_120 = vector.multi_reduction <add>, %mul3A_119, %reduce_sum3A [1] : vector<24x10240xf32> to vector<24xf32>
      %broadcast_in_dim3A = vector.shape_cast %reduce_sum3A_120 : vector<24xf32> to vector<24x1xf32>
      %mul3A_121 = arith.constant 9.99999974E-5 : f32
      %mul3A_122 = vector.broadcast %mul3A_121 : f32 to vector<24x1xf32>
      %mul3A_123 = arith.mulf %broadcast_in_dim3A, %mul3A_122 : vector<24x1xf32>
      %mul3A_124 = arith.mulf %mul3A_119, %mul3A_119 : vector<24x10240xf32>
      %reduce_sum3A_125 = arith.constant dense<0.000000e+00> : vector<24xf32>
      %reduce_sum3A_126 = vector.multi_reduction <add>, %mul3A_124, %reduce_sum3A_125 [1] : vector<24x10240xf32> to vector<24xf32>
      %broadcast_in_dim3A_127 = vector.shape_cast %reduce_sum3A_126 : vector<24xf32> to vector<24x1xf32>
      %mul3A_128 = arith.constant 9.99999974E-5 : f32
      %mul3A_129 = vector.broadcast %mul3A_128 : f32 to vector<24x1xf32>
      %mul3A_130 = arith.mulf %broadcast_in_dim3A_127, %mul3A_129 : vector<24x1xf32>
      %mul3A_131 = arith.mulf %mul3A_123, %mul3A_123 : vector<24x1xf32>
      %sub3A = arith.subf %mul3A_130, %mul3A_131 : vector<24x1xf32>
      %sub3A_132 = vector.broadcast %mul3A_123 : vector<24x1xf32> to vector<24x10240xf32>
      %sub3A_133 = arith.subf %mul3A_119, %sub3A_132 : vector<24x10240xf32>
      %add3A_134 = arith.constant 9.99999974E-6 : f32
      %add3A_135 = vector.broadcast %add3A_134 : f32 to vector<24x1xf32>
      %add3A_136 = arith.addf %sub3A, %add3A_135 : vector<24x1xf32>
      %sqrt3A = math.sqrt %add3A_136 : vector<24x1xf32>
      %div3A_137 = vector.broadcast %sqrt3A : vector<24x1xf32> to vector<24x10240xf32>
      %div3A_138 = arith.divf %sub3A_133, %div3A_137 : vector<24x10240xf32>
      %mul3A_139 = vector.broadcast %reshape3A_85 : vector<24x1xf32> to vector<24x10240xf32>
      %mul3A_140 = arith.mulf %div3A_138, %mul3A_139 : vector<24x10240xf32>
      %add3A_141 = vector.broadcast %reshape3A_88 : vector<24x1xf32> to vector<24x10240xf32>
      %add3A_142 = arith.addf %mul3A_140, %add3A_141 : vector<24x10240xf32>
      %gt3A_143 = arith.constant 0.000000e+00 : f32
      %gt3A_144 = vector.broadcast %gt3A_143 : f32 to vector<24x10240xf32>
      %gt3A_145 = arith.cmpf ogt, %add3A_142, %gt3A_144 : vector<24x10240xf32>
      %mul3A_146 = arith.constant 1.000000e-01 : f32
      %mul3A_147 = vector.broadcast %mul3A_146 : f32 to vector<24x10240xf32>
      %mul3A_148 = arith.mulf %mul3A_147, %add3A_142 : vector<24x10240xf32>
      %select_n3A = arith.select %gt3A_145, %add3A_142, %mul3A_148 : vector<24x10240xi1>, vector<24x10240xf32>
      %dot_general3A = arith.constant dense<0.000000e+00> : vector<12x10240xf32>
      %dot_general3A_149 = tpu.matmul %transpose3A_92, %select_n3A, %dot_general3A {dimension_numbers = #tpu.dot_dimension_numbers<[1], [0], [0], [1], [0, 0, 1, 1], [], []>, transpose_lhs_hint = false} : vector<12x24xf32>, vector<24x10240xf32>, vector<12x10240xf32> -> vector<12x10240xf32>
      %add3A_150 = vector.broadcast %reshape3A_95 : vector<12x1xf32> to vector<12x10240xf32>
      %add3A_151 = arith.addf %dot_general3A_149, %add3A_150 : vector<12x10240xf32>
      %gt3A_152 = arith.constant 0.000000e+00 : f32
      %gt3A_153 = vector.broadcast %gt3A_152 : f32 to vector<12x10240xf32>
      %gt3A_154 = arith.cmpf ogt, %add3A_151, %gt3A_153 : vector<12x10240xf32>
      %mul3A_155 = arith.constant 1.000000e-01 : f32
      %mul3A_156 = vector.broadcast %mul3A_155 : f32 to vector<12x10240xf32>
      %mul3A_157 = arith.mulf %mul3A_156, %add3A_151 : vector<12x10240xf32>
      %select_n3A_158 = arith.select %gt3A_154, %add3A_151, %mul3A_157 : vector<12x10240xi1>, vector<12x10240xf32>
      %dot_general3A_159 = arith.constant dense<0.000000e+00> : vector<1x10240xf32>
      %dot_general3A_160 = tpu.matmul %transpose3A_99, %select_n3A_158, %dot_general3A_159 {dimension_numbers = #tpu.dot_dimension_numbers<[1], [0], [0], [1], [0, 0, 1, 1], [], []>, transpose_lhs_hint = false} : vector<1x12xf32>, vector<12x10240xf32>, vector<1x10240xf32> -> vector<1x10240xf32>
      %add3A_161 = vector.broadcast %reshape3A_102 : vector<1x1xf32> to vector<1x10240xf32>
      %add3A_162 = arith.addf %dot_general3A_160, %add3A_161 : vector<1x10240xf32>
      %logistic3A = arith.negf %add3A_162 : vector<1x10240xf32>
      %logistic3A_163 = math.exp %logistic3A : vector<1x10240xf32>
      %logistic3A_164 = arith.constant 1.000000e+00 : f32
      %logistic3A_165 = vector.broadcast %logistic3A_164 : f32 to vector<1x10240xf32>
      %logistic3A_166 = arith.addf %logistic3A_165, %logistic3A_163 : vector<1x10240xf32>
      %logistic3A_167 = arith.divf %logistic3A_165, %logistic3A_166 : vector<1x10240xf32>
      %get3A_168 = arith.constant 0 : index
      %get3A_169 = arith.constant 0 : index
      %get3A_170 = vector.load %arg3[%get3A_168, %get3A_169] : memref<1x30720xf32, #tpu.memory_space<vmem>>, vector<1x10240xf32>
      %mul3A_171 = arith.constant 0.899999976 : f32
      %mul3A_172 = vector.broadcast %mul3A_171 : f32 to vector<1x10240xf32>
      %mul3A_173 = arith.mulf %mul3A_172, %logistic3A_167 : vector<1x10240xf32>
      %mul3A_174 = arith.constant 1.000000e-01 : f32
      %mul3A_175 = vector.broadcast %mul3A_174 : f32 to vector<1x10240xf32>
      %mul3A_176 = arith.mulf %mul3A_175, %get3A_170 : vector<1x10240xf32>
      %add3A_177 = arith.addf %mul3A_173, %mul3A_176 : vector<1x10240xf32>
      %get3A_178 = arith.constant 0 : index
      %get3A_179 = arith.constant 0 : index
      %get3A_180 = vector.load %arg12[%get3A_178, %get3A_179] : memref<1x4xf32, #tpu.memory_space<vmem>>, vector<1x4xf32>
      %slice3A_181 = vector.extract_strided_slice %get3A_180 {offsets = [0, 0], sizes = [1, 1], strides = [1, 1]} : vector<1x4xf32> to vector<1x1xf32>
      %squeeze3A = vector.extract %slice3A_181[0, 0] : f32 from vector<1x1xf32>
      %slice3A_182 = vector.extract_strided_slice %get3A_180 {offsets = [0, 1], sizes = [1, 1], strides = [1, 1]} : vector<1x4xf32> to vector<1x1xf32>
      %squeeze3A_183 = vector.extract %slice3A_182[0, 0] : f32 from vector<1x1xf32>
      %slice3A_184 = vector.extract_strided_slice %get3A_180 {offsets = [0, 2], sizes = [1, 1], strides = [1, 1]} : vector<1x4xf32> to vector<1x1xf32>
      %squeeze3A_185 = vector.extract %slice3A_184[0, 0] : f32 from vector<1x1xf32>
      %slice3A_186 = vector.extract_strided_slice %get3A_180 {offsets = [0, 3], sizes = [1, 1], strides = [1, 1]} : vector<1x4xf32> to vector<1x1xf32>
      %squeeze3A_187 = vector.extract %slice3A_186[0, 0] : f32 from vector<1x1xf32>
      %get3A_188 = arith.constant 0 : index
      %get3A_189 = arith.constant 0 : index
      %get3A_190 = vector.load %arg13[%get3A_188, %get3A_189] : memref<1x10240xf32, #tpu.memory_space<vmem>>, vector<1x10240xf32>
      %mul3A_191 = vector.broadcast %squeeze3A_185 : f32 to vector<1x10240xf32>
      %mul3A_192 = arith.mulf %get3A_190, %mul3A_191 : vector<1x10240xf32>
      %add3A_193 = arith.constant 9.99999997E-7 : f32
      %add3A_194 = vector.broadcast %add3A_193 : f32 to vector<1x10240xf32>
      %add3A_195 = arith.addf %mul3A_192, %add3A_194 : vector<1x10240xf32>
      %log3A = math.log %add3A_195 : vector<1x10240xf32>
      %mul3A_196 = vector.broadcast %squeeze3A : f32 to vector<1x10240xf32>
      %mul3A_197 = arith.mulf %mul3A_196, %log3A : vector<1x10240xf32>
      %add3A_198 = vector.broadcast %squeeze3A_183 : f32 to vector<1x10240xf32>
      %add3A_199 = arith.addf %mul3A_197, %add3A_198 : vector<1x10240xf32>
      %mul3A_200 = arith.constant 2.000000e-01 : f32
      %mul3A_201 = vector.broadcast %mul3A_200 : f32 to vector<1x10240xf32>
      %mul3A_202 = arith.mulf %add3A_199, %mul3A_201 : vector<1x10240xf32>
      %tanh3A = math.tanh %mul3A_202 : vector<1x10240xf32>
      %mul3A_203 = arith.constant 5.000000e+00 : f32
      %mul3A_204 = vector.broadcast %mul3A_203 : f32 to vector<1x10240xf32>
      %mul3A_205 = arith.mulf %mul3A_204, %tanh3A : vector<1x10240xf32>
      %logistic3A_206 = arith.negf %squeeze3A_187 : f32
      %logistic3A_207 = math.exp %logistic3A_206 : f32
      %logistic3A_208 = arith.constant 1.000000e+00 : f32
      %logistic3A_209 = arith.addf %logistic3A_208, %logistic3A_207 : f32
      %logistic3A_210 = arith.divf %logistic3A_208, %logistic3A_209 : f32
      %logistic3A_211 = arith.negf %mul3A_205 : vector<1x10240xf32>
      %logistic3A_212 = math.exp %logistic3A_211 : vector<1x10240xf32>
      %logistic3A_213 = arith.constant 1.000000e+00 : f32
      %logistic3A_214 = vector.broadcast %logistic3A_213 : f32 to vector<1x10240xf32>
      %logistic3A_215 = arith.addf %logistic3A_214, %logistic3A_212 : vector<1x10240xf32>
      %logistic3A_216 = arith.divf %logistic3A_214, %logistic3A_215 : vector<1x10240xf32>
      %mul3A_217 = arith.mulf %add3A_177, %logistic3A_216 : vector<1x10240xf32>
      %mul3A_218 = vector.broadcast %logistic3A_210 : f32 to vector<1x10240xf32>
      %mul3A_219 = arith.mulf %mul3A_218, %mul3A_217 : vector<1x10240xf32>
      %sub3A_220 = arith.constant 1.000000e+00 : f32
      %sub3A_221 = arith.subf %sub3A_220, %logistic3A_210 : f32
      %mul3A_222 = vector.broadcast %sub3A_221 : f32 to vector<1x10240xf32>
      %mul3A_223 = arith.mulf %mul3A_222, %add3A_177 : vector<1x10240xf32>
      %add3A_224 = arith.addf %mul3A_219, %mul3A_223 : vector<1x10240xf32>
      %slice3A_225 = vector.extract_strided_slice %add3A_224 {offsets = [0, 0], sizes = [1, 10000], strides = [1, 1]} : vector<1x10240xf32> to vector<1x10000xf32>
      %swap3A = arith.constant 0 : index
      %swap3A_226 = arith.constant 0 : index
      %swap3A_227 = vector.load %arg14[%swap3A, %swap3A_226] : memref<1x10000xf32, #tpu.memory_space<vmem>>, vector<1x10000xf32>
      tpu.vector_store %arg14[%swap3A, %swap3A_226], %slice3A_225 {strides = array<i32>} : memref<1x10000xf32, #tpu.memory_space<vmem>>, vector<1x10000xf32>,
    } else {
    }
    return
  }
  func.func @transform_0(%arg0: i32) -> i32 {
    %c0_i32 = arith.constant 0 : i32
    return %arg0 : i32
  }
  func.func @transform_1(%arg0: i32) -> (i32, i32) {
    %c0_i32 = arith.constant 0 : i32
    %c0_i32_0 = arith.constant 0 : i32
    %c0_i32_1 = arith.constant 0 : i32
    return %c0_i32, %c0_i32_0 : i32, i32
  }
  func.func @transform_2(%arg0: i32) -> (i32, i32) {
    %c0_i32 = arith.constant 0 : i32
    %c0_i32_0 = arith.constant 0 : i32
    %c0_i32_1 = arith.constant 0 : i32
    return %c0_i32, %c0_i32_0 : i32, i32
  }
  func.func @transform_3(%arg0: i32) -> (i32, i32) {
    %c0_i32 = arith.constant 0 : i32
    %c0_i32_0 = arith.constant 0 : i32
    %c0_i32_1 = arith.constant 0 : i32
    return %c0_i32, %c0_i32_0 : i32, i32
  }
  func.func @transform_4(%arg0: i32) -> i32 {
    %c0_i32 = arith.constant 0 : i32
    %c0_i32_0 = arith.constant 0 : i32
    return %c0_i32 : i32
  }
  func.func @transform_5(%arg0: i32) -> i32 {
    %c0_i32 = arith.constant 0 : i32
    %c0_i32_0 = arith.constant 0 : i32
    return %c0_i32 : i32
  }
  func.func @transform_6(%arg0: i32) -> i32 {
    %c0_i32 = arith.constant 0 : i32
    %c0_i32_0 = arith.constant 0 : i32
    return %c0_i32 : i32
  }
  func.func @transform_7(%arg0: i32) -> (i32, i32) {
    %c0_i32 = arith.constant 0 : i32
    %c0_i32_0 = arith.constant 0 : i32
    %c0_i32_1 = arith.constant 0 : i32
    return %c0_i32, %c0_i32_0 : i32, i32
  }
  func.func @transform_8(%arg0: i32) -> i32 {
    %c0_i32 = arith.constant 0 : i32
    %c0_i32_0 = arith.constant 0 : i32
    return %c0_i32 : i32
  }
  func.func @transform_9(%arg0: i32) -> (i32, i32) {
    %c0_i32 = arith.constant 0 : i32
    %c0_i32_0 = arith.constant 0 : i32
    %c0_i32_1 = arith.constant 0 : i32
    return %c0_i32, %c0_i32_0 : i32, i32
  }
  func.func @transform_10(%arg0: i32) -> i32 {
    %c0_i32 = arith.constant 0 : i32
    %c0_i32_0 = arith.constant 0 : i32
    return %c0_i32 : i32
  }
  func.func @transform_11(%arg0: i32) -> (i32, i32) {
    %c0_i32 = arith.constant 0 : i32
    %c0_i32_0 = arith.constant 0 : i32
    %c0_i32_1 = arith.constant 0 : i32
    return %c0_i32, %c0_i32_0 : i32, i32
  }
  func.func @transform_12(%arg0: i32) -> (i32, i32) {
    %c0_i32 = arith.constant 0 : i32
    %c0_i32_0 = arith.constant 0 : i32
    %c0_i32_1 = arith.constant 0 : i32
    return %c0_i32, %c0_i32_0 : i32, i32
  }
  func.func @transform_13(%arg0: i32) -> (i32, i32) {
    %c0_i32 = arith.constant 0 : i32
    %c0_i32_0 = arith.constant 0 : i32
    %c0_i32_1 = arith.constant 0 : i32
    return %c0_i32, %c0_i32_0 : i32, i32
  }
}

module attributes {stable_mosaic.version = 14 : i64} {
  func.func @_node_body(%arg0: i32, %arg1: memref<819200xf32, #tpu.memory_space<vmem>>, %arg2: memref<1x30720xf32, #tpu.memory_space<vmem>>, %arg3: memref<1x30720xf32, #tpu.memory_space<vmem>>, %arg4: memref<3x24xf32, #tpu.memory_space<vmem>>, %arg5: memref<24xf32, #tpu.memory_space<vmem>>, %arg6: memref<24xf32, #tpu.memory_space<vmem>>, %arg7: memref<24xf32, #tpu.memory_space<vmem>>, %arg8: memref<24x12xf32, #tpu.memory_space<vmem>>, %arg9: memref<12xf32, #tpu.memory_space<vmem>>, %arg10: memref<12x1xf32, #tpu.memory_space<vmem>>, %arg11: memref<1xf32, #tpu.memory_space<vmem>>, %arg12: memref<1x30720xf32, #tpu.memory_space<vmem>>, %arg13: memref<1x10240xf32, #tpu.memory_space<vmem>>, %arg14: memref<51200xf32, #tpu.memory_space<vmem>>) attributes {dimension_semantics = [#tpu.dimension_semantics<arbitrary>], iteration_bounds = array<i64: 2>, scalar_prefetch = 0 : i64, scratch_operands = 1 : i64, tpu.core_type = #tpu.core_type<tc>, window_params = [{transform_indices = @transform_0, window_bounds = array<i64: 819200>}, {pipeline_mode = #tpu.pipeline_mode<synchronous>, transform_indices = @transform_1, window_bounds = array<i64: 1, 30720>}, {pipeline_mode = #tpu.pipeline_mode<synchronous>, transform_indices = @transform_2, window_bounds = array<i64: 1, 30720>}, {pipeline_mode = #tpu.pipeline_mode<synchronous>, transform_indices = @transform_3, window_bounds = array<i64: 3, 24>}, {pipeline_mode = #tpu.pipeline_mode<synchronous>, transform_indices = @transform_4, window_bounds = array<i64: 24>}, {pipeline_mode = #tpu.pipeline_mode<synchronous>, transform_indices = @transform_5, window_bounds = array<i64: 24>}, {pipeline_mode = #tpu.pipeline_mode<synchronous>, transform_indices = @transform_6, window_bounds = array<i64: 24>}, {pipeline_mode = #tpu.pipeline_mode<synchronous>, transform_indices = @transform_7, window_bounds = array<i64: 24, 12>}, {pipeline_mode = #tpu.pipeline_mode<synchronous>, transform_indices = @transform_8, window_bounds = array<i64: 12>}, {pipeline_mode = #tpu.pipeline_mode<synchronous>, transform_indices = @transform_9, window_bounds = array<i64: 12, 1>}, {pipeline_mode = #tpu.pipeline_mode<synchronous>, transform_indices = @transform_10, window_bounds = array<i64: 1>}, {pipeline_mode = #tpu.pipeline_mode<synchronous>, transform_indices = @transform_11, window_bounds = array<i64: 1, 30720>}, {pipeline_mode = #tpu.pipeline_mode<synchronous>, transform_indices = @transform_12, window_bounds = array<i64: 1, 10240>}]} {
    %get3A = arith.constant 0 : index
    %get3A_0 = vector.load %arg1[%get3A] : memref<819200xf32, #tpu.memory_space<vmem>>, vector<51200xf32>
    %get3A_1 = arith.constant 51200 : index
    %get3A_2 = vector.load %arg1[%get3A_1] : memref<819200xf32, #tpu.memory_space<vmem>>, vector<51200xf32>
    %add3A = arith.addf %get3A_0, %get3A_2 : vector<51200xf32>
    %get3A_3 = arith.constant 102400 : index
    %get3A_4 = vector.load %arg1[%get3A_3] : memref<819200xf32, #tpu.memory_space<vmem>>, vector<51200xf32>
    %add3A_5 = arith.addf %add3A, %get3A_4 : vector<51200xf32>
    %get3A_6 = arith.constant 153600 : index
    %get3A_7 = vector.load %arg1[%get3A_6] : memref<819200xf32, #tpu.memory_space<vmem>>, vector<51200xf32>
    %add3A_8 = arith.addf %add3A_5, %get3A_7 : vector<51200xf32>
    %get3A_9 = arith.constant 204800 : index
    %get3A_10 = vector.load %arg1[%get3A_9] : memref<819200xf32, #tpu.memory_space<vmem>>, vector<51200xf32>
    %add3A_11 = arith.addf %add3A_8, %get3A_10 : vector<51200xf32>
    %get3A_12 = arith.constant 256000 : index
    %get3A_13 = vector.load %arg1[%get3A_12] : memref<819200xf32, #tpu.memory_space<vmem>>, vector<51200xf32>
    %add3A_14 = arith.addf %add3A_11, %get3A_13 : vector<51200xf32>
    %get3A_15 = arith.constant 307200 : index
    %get3A_16 = vector.load %arg1[%get3A_15] : memref<819200xf32, #tpu.memory_space<vmem>>, vector<51200xf32>
    %add3A_17 = arith.addf %add3A_14, %get3A_16 : vector<51200xf32>
    %get3A_18 = arith.constant 358400 : index
    %get3A_19 = vector.load %arg1[%get3A_18] : memref<819200xf32, #tpu.memory_space<vmem>>, vector<51200xf32>
    %add3A_20 = arith.addf %add3A_17, %get3A_19 : vector<51200xf32>
    %get3A_21 = arith.constant 409600 : index
    %get3A_22 = vector.load %arg1[%get3A_21] : memref<819200xf32, #tpu.memory_space<vmem>>, vector<51200xf32>
    %add3A_23 = arith.addf %add3A_20, %get3A_22 : vector<51200xf32>
    %get3A_24 = arith.constant 460800 : index
    %get3A_25 = vector.load %arg1[%get3A_24] : memref<819200xf32, #tpu.memory_space<vmem>>, vector<51200xf32>
    %add3A_26 = arith.addf %add3A_23, %get3A_25 : vector<51200xf32>
    %get3A_27 = arith.constant 512000 : index
    %get3A_28 = vector.load %arg1[%get3A_27] : memref<819200xf32, #tpu.memory_space<vmem>>, vector<51200xf32>
    %add3A_29 = arith.addf %add3A_26, %get3A_28 : vector<51200xf32>
    %get3A_30 = arith.constant 563200 : index
    %get3A_31 = vector.load %arg1[%get3A_30] : memref<819200xf32, #tpu.memory_space<vmem>>, vector<51200xf32>
    %add3A_32 = arith.addf %add3A_29, %get3A_31 : vector<51200xf32>
    %get3A_33 = arith.constant 614400 : index
    %get3A_34 = vector.load %arg1[%get3A_33] : memref<819200xf32, #tpu.memory_space<vmem>>, vector<51200xf32>
    %add3A_35 = arith.addf %add3A_32, %get3A_34 : vector<51200xf32>
    %get3A_36 = arith.constant 665600 : index
    %get3A_37 = vector.load %arg1[%get3A_36] : memref<819200xf32, #tpu.memory_space<vmem>>, vector<51200xf32>
    %add3A_38 = arith.addf %add3A_35, %get3A_37 : vector<51200xf32>
    %get3A_39 = arith.constant 716800 : index
    %get3A_40 = vector.load %arg1[%get3A_39] : memref<819200xf32, #tpu.memory_space<vmem>>, vector<51200xf32>
    %add3A_41 = arith.addf %add3A_38, %get3A_40 : vector<51200xf32>
    %get3A_42 = arith.constant 768000 : index
    %get3A_43 = vector.load %arg1[%get3A_42] : memref<819200xf32, #tpu.memory_space<vmem>>, vector<51200xf32>
    %add3A_44 = arith.addf %add3A_41, %get3A_43 : vector<51200xf32>
    %eq3A = arith.constant 0 : i32
    %eq3A_45 = arith.cmpi eq, %arg0, %eq3A : i32
    %convert_element_type3A = arith.extui %eq3A_45 : i1 to i32
    %cond3A = arith.constant 0 : i32
    %cond3A_46 = arith.cmpi ne, %convert_element_type3A, %cond3A : i32
    scf.if %cond3A_46 {
      %swap3A = arith.constant 0 : index
      %swap3A_56 = vector.load %arg14[%swap3A] : memref<51200xf32, #tpu.memory_space<vmem>>, vector<51200xf32>
      tpu.vector_store %arg14[%swap3A], %add3A_44 {strides = array<i32>} : memref<51200xf32, #tpu.memory_space<vmem>>, vector<51200xf32>,
    } else {
    }
    %gt3A = arith.constant 0 : i32
    %gt3A_47 = arith.cmpi sgt, %arg0, %gt3A : i32
    %convert_element_type3A_48 = arith.extui %gt3A_47 : i1 to i32
    %cond3A_49 = arith.constant 0 : i32
    %cond3A_50 = arith.cmpi ne, %convert_element_type3A_48, %cond3A_49 : i32
    scf.if %cond3A_50 {
      %get3A_56 = arith.constant 0 : index
      %get3A_57 = vector.load %arg14[%get3A_56] : memref<51200xf32, #tpu.memory_space<vmem>>, vector<51200xf32>
      %add3A_58 = arith.addf %get3A_57, %add3A_44 : vector<51200xf32>
      %swap3A = arith.constant 0 : index
      %swap3A_59 = vector.load %arg14[%swap3A] : memref<51200xf32, #tpu.memory_space<vmem>>, vector<51200xf32>
      tpu.vector_store %arg14[%swap3A], %add3A_58 {strides = array<i32>} : memref<51200xf32, #tpu.memory_space<vmem>>, vector<51200xf32>,
    } else {
    }
    %eq3A_51 = arith.constant 1 : i32
    %eq3A_52 = arith.cmpi eq, %arg0, %eq3A_51 : i32
    %convert_element_type3A_53 = arith.extui %eq3A_52 : i1 to i32
    %cond3A_54 = arith.constant 0 : i32
    %cond3A_55 = arith.cmpi ne, %convert_element_type3A_53, %cond3A_54 : i32
    scf.if %cond3A_55 {
      %get3A_56 = arith.constant 0 : index
      %get3A_57 = vector.load %arg14[%get3A_56] : memref<51200xf32, #tpu.memory_space<vmem>>, vector<51200xf32>
      %slice3A = vector.extract_strided_slice %get3A_57 {offsets = [0], sizes = [10240], strides = [1]} : vector<51200xf32> to vector<10240xf32>
      %reshape3A = vector.shape_cast %slice3A : vector<10240xf32> to vector<1x10240xf32>
      %slice3A_58 = vector.extract_strided_slice %get3A_57 {offsets = [10240], sizes = [10240], strides = [1]} : vector<51200xf32> to vector<10240xf32>
      %reshape3A_59 = vector.shape_cast %slice3A_58 : vector<10240xf32> to vector<1x10240xf32>
      %slice3A_60 = vector.extract_strided_slice %get3A_57 {offsets = [20480], sizes = [10240], strides = [1]} : vector<51200xf32> to vector<10240xf32>
      %reshape3A_61 = vector.shape_cast %slice3A_60 : vector<10240xf32> to vector<1x10240xf32>
      %slice3A_62 = vector.extract_strided_slice %get3A_57 {offsets = [30720], sizes = [10240], strides = [1]} : vector<51200xf32> to vector<10240xf32>
      %reshape3A_63 = vector.shape_cast %slice3A_62 : vector<10240xf32> to vector<1x10240xf32>
      %max3A = arith.constant 9.99999968E-21 : f32
      %max3A_64 = vector.broadcast %max3A : f32 to vector<1x10240xf32>
      %max3A_65 = arith.maximumf %reshape3A, %max3A_64 : vector<1x10240xf32>
      %div3A = arith.divf %reshape3A_59, %max3A_65 : vector<1x10240xf32>
      %max3A_66 = arith.constant 9.99999968E-21 : f32
      %max3A_67 = vector.broadcast %max3A_66 : f32 to vector<1x10240xf32>
      %max3A_68 = arith.maximumf %reshape3A_61, %max3A_67 : vector<1x10240xf32>
      %div3A_69 = arith.divf %reshape3A_63, %max3A_68 : vector<1x10240xf32>
      %get3A_70 = arith.constant 0 : index
      %get3A_71 = arith.constant 0 : index
      %get3A_72 = vector.load %arg2[%get3A_70, %get3A_71] : memref<1x30720xf32, #tpu.memory_space<vmem>>, vector<1x10240xf32>
      %iota3A = tpu.iota {dimensions = array<i32: 1>} : vector<1x10240xi32>
      %lt3A = arith.constant 10000 : i32
      %lt3A_73 = vector.broadcast %lt3A : i32 to vector<1x10240xi32>
      %lt3A_74 = arith.cmpi slt, %iota3A, %lt3A_73 : vector<1x10240xi32>
      %convert_element_type3A_75 = arith.extui %lt3A_74 : vector<1x10240xi1> to vector<1x10240xi32>
      %convert_element_type3A_76 = arith.sitofp %convert_element_type3A_75 : vector<1x10240xi32> to vector<1x10240xf32>
      %get3A_77 = arith.constant 0 : index
      %get3A_78 = arith.constant 0 : index
      %get3A_79 = vector.load %arg4[%get3A_77, %get3A_78] : memref<3x24xf32, #tpu.memory_space<vmem>>, vector<3x24xf32>
      %transpose3A = tpu.transpose %get3A_79, [1, 0] : vector<3x24xf32> -> vector<24x3xf32>
      %get3A_80 = arith.constant 0 : index
      %get3A_81 = vector.load %arg5[%get3A_80] : memref<24xf32, #tpu.memory_space<vmem>>, vector<24xf32>
      %reshape3A_82 = vector.shape_cast %get3A_81 : vector<24xf32> to vector<24x1xf32>
      %get3A_83 = arith.constant 0 : index
      %get3A_84 = vector.load %arg6[%get3A_83] : memref<24xf32, #tpu.memory_space<vmem>>, vector<24xf32>
      %reshape3A_85 = vector.shape_cast %get3A_84 : vector<24xf32> to vector<24x1xf32>
      %get3A_86 = arith.constant 0 : index
      %get3A_87 = vector.load %arg7[%get3A_86] : memref<24xf32, #tpu.memory_space<vmem>>, vector<24xf32>
      %reshape3A_88 = vector.shape_cast %get3A_87 : vector<24xf32> to vector<24x1xf32>
      %get3A_89 = arith.constant 0 : index
      %get3A_90 = arith.constant 0 : index
      %get3A_91 = vector.load %arg8[%get3A_89, %get3A_90] : memref<24x12xf32, #tpu.memory_space<vmem>>, vector<24x12xf32>
      %transpose3A_92 = tpu.transpose %get3A_91, [1, 0] : vector<24x12xf32> -> vector<12x24xf32>
      %get3A_93 = arith.constant 0 : index
      %get3A_94 = vector.load %arg9[%get3A_93] : memref<12xf32, #tpu.memory_space<vmem>>, vector<12xf32>
      %reshape3A_95 = vector.shape_cast %get3A_94 : vector<12xf32> to vector<12x1xf32>
      %get3A_96 = arith.constant 0 : index
      %get3A_97 = arith.constant 0 : index
      %get3A_98 = vector.load %arg10[%get3A_96, %get3A_97] : memref<12x1xf32, #tpu.memory_space<vmem>>, vector<12x1xf32>
      %transpose3A_99 = tpu.transpose %get3A_98, [1, 0] : vector<12x1xf32> -> vector<1x12xf32>
      %get3A_100 = arith.constant 0 : index
      %get3A_101 = vector.load %arg11[%get3A_100] : memref<1xf32, #tpu.memory_space<vmem>>, vector<1xf32>
      %reshape3A_102 = vector.shape_cast %get3A_101 : vector<1xf32> to vector<1x1xf32>
      %slice3A_103 = vector.extract_strided_slice %transpose3A {offsets = [0, 0], sizes = [24, 1], strides = [1, 1]} : vector<24x3xf32> to vector<24x1xf32>
      %mul3A = vector.broadcast %slice3A_103 : vector<24x1xf32> to vector<24x10240xf32>
      %mul3A_104 = vector.broadcast %get3A_72 : vector<1x10240xf32> to vector<24x10240xf32>
      %mul3A_105 = arith.mulf %mul3A, %mul3A_104 : vector<24x10240xf32>
      %slice3A_106 = vector.extract_strided_slice %transpose3A {offsets = [0, 1], sizes = [24, 1], strides = [1, 1]} : vector<24x3xf32> to vector<24x1xf32>
      %mul3A_107 = vector.broadcast %slice3A_106 : vector<24x1xf32> to vector<24x10240xf32>
      %mul3A_108 = vector.broadcast %div3A : vector<1x10240xf32> to vector<24x10240xf32>
      %mul3A_109 = arith.mulf %mul3A_107, %mul3A_108 : vector<24x10240xf32>
      %add3A_110 = arith.addf %mul3A_105, %mul3A_109 : vector<24x10240xf32>
      %slice3A_111 = vector.extract_strided_slice %transpose3A {offsets = [0, 2], sizes = [24, 1], strides = [1, 1]} : vector<24x3xf32> to vector<24x1xf32>
      %mul3A_112 = vector.broadcast %slice3A_111 : vector<24x1xf32> to vector<24x10240xf32>
      %mul3A_113 = vector.broadcast %div3A_69 : vector<1x10240xf32> to vector<24x10240xf32>
      %mul3A_114 = arith.mulf %mul3A_112, %mul3A_113 : vector<24x10240xf32>
      %add3A_115 = arith.addf %add3A_110, %mul3A_114 : vector<24x10240xf32>
      %add3A_116 = vector.broadcast %reshape3A_82 : vector<24x1xf32> to vector<24x10240xf32>
      %add3A_117 = arith.addf %add3A_115, %add3A_116 : vector<24x10240xf32>
      %mul3A_118 = vector.broadcast %convert_element_type3A_76 : vector<1x10240xf32> to vector<24x10240xf32>
      %mul3A_119 = arith.mulf %add3A_117, %mul3A_118 : vector<24x10240xf32>
      %reduce_sum3A = arith.constant dense<0.000000e+00> : vector<24xf32>
      %reduce_sum3A_120 = vector.multi_reduction <add>, %mul3A_119, %reduce_sum3A [1] : vector<24x10240xf32> to vector<24xf32>
      %broadcast_in_dim3A = vector.shape_cast %reduce_sum3A_120 : vector<24xf32> to vector<24x1xf32>
      %mul3A_121 = arith.constant 9.99999974E-5 : f32
      %mul3A_122 = vector.broadcast %mul3A_121 : f32 to vector<24x1xf32>
      %mul3A_123 = arith.mulf %broadcast_in_dim3A, %mul3A_122 : vector<24x1xf32>
      %mul3A_124 = arith.mulf %mul3A_119, %mul3A_119 : vector<24x10240xf32>
      %reduce_sum3A_125 = arith.constant dense<0.000000e+00> : vector<24xf32>
      %reduce_sum3A_126 = vector.multi_reduction <add>, %mul3A_124, %reduce_sum3A_125 [1] : vector<24x10240xf32> to vector<24xf32>
      %broadcast_in_dim3A_127 = vector.shape_cast %reduce_sum3A_126 : vector<24xf32> to vector<24x1xf32>
      %mul3A_128 = arith.constant 9.99999974E-5 : f32
      %mul3A_129 = vector.broadcast %mul3A_128 : f32 to vector<24x1xf32>
      %mul3A_130 = arith.mulf %broadcast_in_dim3A_127, %mul3A_129 : vector<24x1xf32>
      %mul3A_131 = arith.mulf %mul3A_123, %mul3A_123 : vector<24x1xf32>
      %sub3A = arith.subf %mul3A_130, %mul3A_131 : vector<24x1xf32>
      %sub3A_132 = vector.broadcast %mul3A_123 : vector<24x1xf32> to vector<24x10240xf32>
      %sub3A_133 = arith.subf %mul3A_119, %sub3A_132 : vector<24x10240xf32>
      %add3A_134 = arith.constant 9.99999974E-6 : f32
      %add3A_135 = vector.broadcast %add3A_134 : f32 to vector<24x1xf32>
      %add3A_136 = arith.addf %sub3A, %add3A_135 : vector<24x1xf32>
      %sqrt3A = math.sqrt %add3A_136 : vector<24x1xf32>
      %div3A_137 = vector.broadcast %sqrt3A : vector<24x1xf32> to vector<24x10240xf32>
      %div3A_138 = arith.divf %sub3A_133, %div3A_137 : vector<24x10240xf32>
      %mul3A_139 = vector.broadcast %reshape3A_85 : vector<24x1xf32> to vector<24x10240xf32>
      %mul3A_140 = arith.mulf %div3A_138, %mul3A_139 : vector<24x10240xf32>
      %add3A_141 = vector.broadcast %reshape3A_88 : vector<24x1xf32> to vector<24x10240xf32>
      %add3A_142 = arith.addf %mul3A_140, %add3A_141 : vector<24x10240xf32>
      %gt3A_143 = arith.constant 0.000000e+00 : f32
      %gt3A_144 = vector.broadcast %gt3A_143 : f32 to vector<24x10240xf32>
      %gt3A_145 = arith.cmpf ogt, %add3A_142, %gt3A_144 : vector<24x10240xf32>
      %mul3A_146 = arith.constant 1.000000e-01 : f32
      %mul3A_147 = vector.broadcast %mul3A_146 : f32 to vector<24x10240xf32>
      %mul3A_148 = arith.mulf %mul3A_147, %add3A_142 : vector<24x10240xf32>
      %select_n3A = arith.select %gt3A_145, %add3A_142, %mul3A_148 : vector<24x10240xi1>, vector<24x10240xf32>
      %dot_general3A = arith.constant dense<0.000000e+00> : vector<12x10240xf32>
      %dot_general3A_149 = tpu.matmul %transpose3A_92, %select_n3A, %dot_general3A {dimension_numbers = #tpu.dot_dimension_numbers<[1], [0], [0], [1], [0, 0, 1, 1], [], []>, transpose_lhs_hint = false} : vector<12x24xf32>, vector<24x10240xf32>, vector<12x10240xf32> -> vector<12x10240xf32>
      %add3A_150 = vector.broadcast %reshape3A_95 : vector<12x1xf32> to vector<12x10240xf32>
      %add3A_151 = arith.addf %dot_general3A_149, %add3A_150 : vector<12x10240xf32>
      %gt3A_152 = arith.constant 0.000000e+00 : f32
      %gt3A_153 = vector.broadcast %gt3A_152 : f32 to vector<12x10240xf32>
      %gt3A_154 = arith.cmpf ogt, %add3A_151, %gt3A_153 : vector<12x10240xf32>
      %mul3A_155 = arith.constant 1.000000e-01 : f32
      %mul3A_156 = vector.broadcast %mul3A_155 : f32 to vector<12x10240xf32>
      %mul3A_157 = arith.mulf %mul3A_156, %add3A_151 : vector<12x10240xf32>
      %select_n3A_158 = arith.select %gt3A_154, %add3A_151, %mul3A_157 : vector<12x10240xi1>, vector<12x10240xf32>
      %dot_general3A_159 = arith.constant dense<0.000000e+00> : vector<1x10240xf32>
      %dot_general3A_160 = tpu.matmul %transpose3A_99, %select_n3A_158, %dot_general3A_159 {dimension_numbers = #tpu.dot_dimension_numbers<[1], [0], [0], [1], [0, 0, 1, 1], [], []>, transpose_lhs_hint = false} : vector<1x12xf32>, vector<12x10240xf32>, vector<1x10240xf32> -> vector<1x10240xf32>
      %add3A_161 = vector.broadcast %reshape3A_102 : vector<1x1xf32> to vector<1x10240xf32>
      %add3A_162 = arith.addf %dot_general3A_160, %add3A_161 : vector<1x10240xf32>
      %logistic3A = arith.negf %add3A_162 : vector<1x10240xf32>
      %logistic3A_163 = math.exp %logistic3A : vector<1x10240xf32>
      %logistic3A_164 = arith.constant 1.000000e+00 : f32
      %logistic3A_165 = vector.broadcast %logistic3A_164 : f32 to vector<1x10240xf32>
      %logistic3A_166 = arith.addf %logistic3A_165, %logistic3A_163 : vector<1x10240xf32>
      %logistic3A_167 = arith.divf %logistic3A_165, %logistic3A_166 : vector<1x10240xf32>
      %get3A_168 = arith.constant 0 : index
      %get3A_169 = arith.constant 0 : index
      %get3A_170 = vector.load %arg3[%get3A_168, %get3A_169] : memref<1x30720xf32, #tpu.memory_space<vmem>>, vector<1x10240xf32>
      %mul3A_171 = arith.constant 8.000000e-01 : f32
      %mul3A_172 = vector.broadcast %mul3A_171 : f32 to vector<1x10240xf32>
      %mul3A_173 = arith.mulf %mul3A_172, %logistic3A_167 : vector<1x10240xf32>
      %mul3A_174 = arith.constant 2.000000e-01 : f32
      %mul3A_175 = vector.broadcast %mul3A_174 : f32 to vector<1x10240xf32>
      %mul3A_176 = arith.mulf %mul3A_175, %get3A_170 : vector<1x10240xf32>
      %add3A_177 = arith.addf %mul3A_173, %mul3A_176 : vector<1x10240xf32>
      %exp3A = math.exp %add3A_177 : vector<1x10240xf32>
      %swap3A = arith.constant 0 : index
      %swap3A_178 = arith.constant 0 : index
      %swap3A_179 = vector.load %arg12[%swap3A, %swap3A_178] : memref<1x30720xf32, #tpu.memory_space<vmem>>, vector<1x10240xf32>
      tpu.vector_store %arg12[%swap3A, %swap3A_178], %add3A_177 {strides = array<i32>} : memref<1x30720xf32, #tpu.memory_space<vmem>>, vector<1x10240xf32>,
      %swap3A_180 = arith.constant 0 : index
      %swap3A_181 = arith.constant 10240 : index
      %swap3A_182 = vector.load %arg12[%swap3A_180, %swap3A_181] : memref<1x30720xf32, #tpu.memory_space<vmem>>, vector<1x10240xf32>
      tpu.vector_store %arg12[%swap3A_180, %swap3A_181], %exp3A {strides = array<i32>} : memref<1x30720xf32, #tpu.memory_space<vmem>>, vector<1x10240xf32>,
      %mul3A_183 = arith.mulf %exp3A, %add3A_177 : vector<1x10240xf32>
      %swap3A_184 = arith.constant 0 : index
      %swap3A_185 = arith.constant 20480 : index
      %swap3A_186 = vector.load %arg12[%swap3A_184, %swap3A_185] : memref<1x30720xf32, #tpu.memory_space<vmem>>, vector<1x10240xf32>
      tpu.vector_store %arg12[%swap3A_184, %swap3A_185], %mul3A_183 {strides = array<i32>} : memref<1x30720xf32, #tpu.memory_space<vmem>>, vector<1x10240xf32>,
      %slice3A_187 = vector.extract_strided_slice %get3A_57 {offsets = [40960], sizes = [10240], strides = [1]} : vector<51200xf32> to vector<10240xf32>
      %reshape3A_188 = vector.shape_cast %slice3A_187 : vector<10240xf32> to vector<1x10240xf32>
      %swap3A_189 = arith.constant 0 : index
      %swap3A_190 = arith.constant 0 : index
      %swap3A_191 = vector.load %arg13[%swap3A_189, %swap3A_190] : memref<1x10240xf32, #tpu.memory_space<vmem>>, vector<1x10240xf32>
      tpu.vector_store %arg13[%swap3A_189, %swap3A_190], %reshape3A_188 {strides = array<i32>} : memref<1x10240xf32, #tpu.memory_space<vmem>>, vector<1x10240xf32>,
    } else {
    }
    return
  }
  func.func @transform_0(%arg0: i32) -> i32 {
    %c0_i32 = arith.constant 0 : i32
    return %arg0 : i32
  }
  func.func @transform_1(%arg0: i32) -> (i32, i32) {
    %c0_i32 = arith.constant 0 : i32
    %c0_i32_0 = arith.constant 0 : i32
    %c0_i32_1 = arith.constant 0 : i32
    return %c0_i32, %c0_i32_0 : i32, i32
  }
  func.func @transform_2(%arg0: i32) -> (i32, i32) {
    %c0_i32 = arith.constant 0 : i32
    %c0_i32_0 = arith.constant 0 : i32
    %c0_i32_1 = arith.constant 0 : i32
    return %c0_i32, %c0_i32_0 : i32, i32
  }
  func.func @transform_3(%arg0: i32) -> (i32, i32) {
    %c0_i32 = arith.constant 0 : i32
    %c0_i32_0 = arith.constant 0 : i32
    %c0_i32_1 = arith.constant 0 : i32
    return %c0_i32, %c0_i32_0 : i32, i32
  }
  func.func @transform_4(%arg0: i32) -> i32 {
    %c0_i32 = arith.constant 0 : i32
    %c0_i32_0 = arith.constant 0 : i32
    return %c0_i32 : i32
  }
  func.func @transform_5(%arg0: i32) -> i32 {
    %c0_i32 = arith.constant 0 : i32
    %c0_i32_0 = arith.constant 0 : i32
    return %c0_i32 : i32
  }
  func.func @transform_6(%arg0: i32) -> i32 {
    %c0_i32 = arith.constant 0 : i32
    %c0_i32_0 = arith.constant 0 : i32
    return %c0_i32 : i32
  }
  func.func @transform_7(%arg0: i32) -> (i32, i32) {
    %c0_i32 = arith.constant 0 : i32
    %c0_i32_0 = arith.constant 0 : i32
    %c0_i32_1 = arith.constant 0 : i32
    return %c0_i32, %c0_i32_0 : i32, i32
  }
  func.func @transform_8(%arg0: i32) -> i32 {
    %c0_i32 = arith.constant 0 : i32
    %c0_i32_0 = arith.constant 0 : i32
    return %c0_i32 : i32
  }
  func.func @transform_9(%arg0: i32) -> (i32, i32) {
    %c0_i32 = arith.constant 0 : i32
    %c0_i32_0 = arith.constant 0 : i32
    %c0_i32_1 = arith.constant 0 : i32
    return %c0_i32, %c0_i32_0 : i32, i32
  }
  func.func @transform_10(%arg0: i32) -> i32 {
    %c0_i32 = arith.constant 0 : i32
    %c0_i32_0 = arith.constant 0 : i32
    return %c0_i32 : i32
  }
  func.func @transform_11(%arg0: i32) -> (i32, i32) {
    %c0_i32 = arith.constant 0 : i32
    %c0_i32_0 = arith.constant 0 : i32
    %c0_i32_1 = arith.constant 0 : i32
    return %c0_i32, %c0_i32_0 : i32, i32
  }
  func.func @transform_12(%arg0: i32) -> (i32, i32) {
    %c0_i32 = arith.constant 0 : i32
    %c0_i32_0 = arith.constant 0 : i32
    %c0_i32_1 = arith.constant 0 : i32
    return %c0_i32, %c0_i32_0 : i32, i32
  }
}

</mosaic_0001>

<sc_bundles>
// kernel: kernel.10.cloned.1.call-start
scs
__scs_entry_jumppad:
0x0: {  	(pc) =	sbr.rel $0x88, $3  }
0x1: {  	(tag) =	ssettag $0x0;
	lr =	simm.s32 $0x1  }
0x2: {  	[smem:$0x3F88] =	sst lr;
	_ =	strace $0xD0000000  }
0x3: {  	_ = 	snop  }
0x4: {  	_ = 	snop  }
0x5: {  	_ = 	snop  }
0x6: {  	_ = 	snop  }
0x7: {  	_ = 	snop  }
__scs_overlays_trampoline_lowered:
0x8: {  	[smem:$0x3F97] =	sst s0  }
0x9: {  	[smem:$0x3F98] =	sst s1  }
0xa: {  	[smem:$0x3F99] =	sst s2  }
0xb: {  	[smem:$0x3F9A] =	sst s3  }
0xc: {  	[smem:$0x3F9B] =	sst s4  }
0xd: {  	[smem:$0x3F9C] =	sst s5  }
0xe: {  	[smem:$0x3F9D] =	sst s6  }
0xf: {  	[smem:$0x3F9E] =	sst s7  }
0x10: {  	[smem:$0x3F9F] =	sst s8  }
0x11: {  	[smem:$0x3FA0] =	sst s9;
	s0 =	simm.s32 @!p0 $0x0  }
0x12: {  	s1 =	sld [smem:$0x3F86];
	s0 =	simm.s32 @p0 $0x1  }
0x13: {  	[smem:$0x3FA1] =	sst s0;
	s0 =	simm.s32 @!p1 $0x0  }
0x14: {  	s2 =	sld [smem:$0x3F85];
	s0 =	simm.s32 @p1 $0x1  }
0x15: {  	[smem:$0x3FA2] =	sst s0;
	s0 =	simm.s32 @!p2 $0x0  }
0x16: {  	s3 =	sld [smem:$0x3FDB];
	s0 =	simm.s32 @p2 $0x1  }
0x17: {  	s4 =	simm.s32 $0x1BF5;
	[smem:$0x3FA4] =	sst s0  }
0x18: {  	s0 =	sld [smem:$0x3F87];
	_ =	swait.ge [sflag:s4], $0x0  }
0x19: {  	s7 =	sld [smem:$0x3F88]  }
0x1a: {  	s8 =	sadd.s32 $0xFFFFE003, lr  }
0x1b: {  	s9 =	sadd.s32 $0xFFFFFEF7, lr;
	s5 =	simm.s32 $0xFFFFFFFF;
	p2 =	slt.u32 s8, $0xFFFFF086  }
0x1c: {  	p1 =	slt.u32 s9, $0xF7A;
	s5 =	simm.s32 @!p2 $0x0  }
0x1d: {  	s5 =	simm.s32 @p1 $0x1;
	p0 =	seq.s32 s7, s2  }
0x1e: {  	s7 =	smul.u32 @!p0 $0xF7A, s2;
	p2 =	seq.s32 @!p0 s5, $0x0  }
0x1f: {  	s9 =	smul.u32 $0xF7A, s1;
	s8 =	simm.s32 @!p0 $0x1BF5;
	p2 =	por !p2, p0  }
0x20: {  	[sflag:s8] =	ssyncset.s32 @!p0 $0xFFFFF086;
	s6 =	sadd.s32 @!p0 s3, s7;
	s7 =	simm.s32 @!p0 $0x108  }
0x21: {  	s3 =	sadd.s32 s3, s9;
	s6 =	sadd.s32 @!p0 $0x88, s6;
	s7 =	simm.s32 @p2 $0x1082  }
0x22: {  	[simem:s7], [sflag:s8] =	dma.local @!p0 [hbm:s6], $0xF7A  }
0x23: {  	s9 =	sor.u32 $0xD0000000, s2;
	s6 =	simm.s32 $0x108;
	_ =	swait.ge @!p0 [sflag:s8], $0x0  }
0x24: {  	s3 =	sadd.s32 $0x88, s3;
	s6 =	simm.s32 @!p1 $0x1082;
	[sflag:s4] =	ssyncset.s32 $0xFFFFF086  }
0x25: {  	[simem:s6], [sflag:s4] =	dma.local [hbm:s3], $0xF7A  }
0x26: {  	[smem:$0x3F88] =	sst s1;
	(tag) =	ssettag s2;
	_ =	strace s9  }
0x27: {  	s1 =	sld [smem:$0x3F98]  }
0x28: {  	s2 =	sld [smem:$0x3F99]  }
0x29: {  	s4 =	sld [smem:$0x3F9B]  }
0x2a: {  	p0 =	seq.s32 s5, $0x0;
	s5 =	sld [smem:$0x3F9C]  }
0x2b: {  	s6 =	sld [smem:$0x3F9D]  }
0x2c: {  	s7 =	sld [smem:$0x3F9E]  }
0x2d: {  	s3 =	simm.s32 $0x108;
	s8 =	sld [smem:$0x3F9F]  }
0x2e: {  	s3 =	simm.s32 @!p0 $0x1082;
	s9 =	sld [smem:$0x3FA0]  }
0x2f: {  	lr =	sadd.s32 s0, s3;
	s0 =	sld [smem:$0x3F97]  }
0x30: {  	s3 =	sld [smem:$0x3F9A]  }
0x31: {  	[smem:$0x3FA3] =	sst s10  }
0x32: {  	s10 =	sld [smem:$0x3FA1];
	_ =	sdelay $0x3  }
0x33: {  	p0 =	seq.s32 s10, $0x1;
	s10 =	sld [smem:$0x3FA3];
	_ =	sdelay $0x3  }
0x34: {  	[smem:$0x3FA3] =	sst s10  }
0x35: {  	s10 =	sld [smem:$0x3FA2];
	_ =	sdelay $0x3  }
0x36: {  	p1 =	seq.s32 s10, $0x1;
	s10 =	sld [smem:$0x3FA3];
	_ =	sdelay $0x3  }
0x37: {  	[smem:$0x3FA3] =	sst s10  }
0x38: {  	s10 =	sld [smem:$0x3FA4]  }
0x39: {  	_ = 	snop;
	(pc) =	sbr.ind lr, $3  }
0x3a: {  	_ = 	snop  }
0x3b: {  	_ = 	snop  }
0x3c: {  	p2 =	seq.s32 s10, $0x1;
	s10 =	sld [smem:$0x3FA3]  }
0x3d: {  	_ =	shalt  }
0x3e: {  	_ =	shalt  }
0x3f: {  	_ =	shalt  }
0x40: {  	_ =	shalt  }
0x41: {  	_ =	shalt  }
0x42: {  	_ =	shalt  }
0x43: {  	_ =	shalt  }
0x44: {  	_ =	shalt  }
0x45: {  	_ =	shalt  }
0x46: {  	_ =	shalt  }
0x47: {  	_ =	shalt  }
0x48: {  	_ =	shalt  }
0x49: {  	_ =	shalt  }
0x4a: {  	_ =	shalt  }
0x4b: {  	_ =	shalt  }
0x4c: {  	_ =	shalt  }
0x4d: {  	_ =	shalt  }
0x4e: {  	_ =	shalt  }
0x4f: {  	_ =	shalt  }
0x50: {  	_ =	shalt  }
0x51: {  	_ =	shalt  }
0x52: {  	_ =	shalt  }
0x53: {  	_ =	shalt  }
0x54: {  	_ =	shalt  }
0x55: {  	_ =	shalt  }
0x56: {  	_ =	shalt  }
0x57: {  	_ =	shalt  }
0x58: {  	_ =	shalt  }
0x59: {  	_ =	shalt  }
0x5a: {  	_ =	shalt  }
0x5b: {  	_ =	shalt  }
0x5c: {  	_ =	shalt  }
0x5d: {  	_ =	shalt  }
0x5e: {  	_ =	shalt  }
0x5f: {  	_ =	shalt  }
0x60: {  	_ =	shalt  }
0x61: {  	_ =	shalt  }
0x62: {  	_ =	shalt  }
0x63: {  	_ =	shalt  }
0x64: {  	_ =	shalt  }
0x65: {  	_ =	shalt  }
0x66: {  	_ =	shalt  }
0x67: {  	_ =	shalt  }
0x68: {  	_ =	shalt  }
0x69: {  	_ =	shalt  }
0x6a: {  	_ =	shalt  }
0x6b: {  	_ =	shalt  }
0x6c: {  	_ =	shalt  }
0x6d: {  	_ =	shalt  }
0x6e: {  	_ =	shalt  }
0x6f: {  	_ =	shalt  }
0x70: {  	_ =	shalt  }
0x71: {  	_ =	shalt  }
0x72: {  	_ =	shalt  }
0x73: {  	_ =	shalt  }
0x74: {  	_ =	shalt  }
0x75: {  	_ =	shalt  }
0x76: {  	_ =	shalt  }
0x77: {  	_ =	shalt  }
0x78: {  	_ =	shalt  }
0x79: {  	_ =	shalt  }
0x7a: {  	_ =	shalt  }
0x7b: {  	_ =	shalt  }
0x7c: {  	_ =	shalt  }
0x7d: {  	_ =	shalt  }
0x7e: {  	_ =	shalt  }
0x7f: {  	_ =	shalt  }
0x80: {  	_ =	shalt  }
0x81: {  	_ =	shalt  }
0x82: {  	_ =	shalt  }
0x83: {  	_ =	shalt  }
0x84: {  	_ =	shalt  }
0x85: {  	_ =	shalt  }
0x86: {  	_ =	shalt  }
0x87: {  	_ =	shalt  }
.Lfunc_end0:
.L_simem_size_0:
called_computation.1_lowered:
.L_overlay_start_0:
0x88: {  	s2 =	sld [smem:$0x3FD9]  }
0x89: {  	s3 =	sld [smem:$0x3FFE];
	_ =	sdelay $0x1  }
0x8a: {  	s1 =	srdreg.scid  }
0x8b: {  	s0 =	sand.u32 $0x1, s1  }
0x8c: {  	s17 =	sshll.u32 s0, $0xA;
	s2 =	sadd.s32 s3, s2  }
0x8d: {  	s2 =	sadd.s32 s2, s17  }
0x8e: {  	[smem:$0x3FAF] =	sst s2  }
0x8f: {  	_ = 	snop  }
0x90: {  	s2 =	sld [smem:$0x3FC7];
	(tm) =	ssettm $0x1  }
0x91: {  	s18 =	sld [smem:$0x3FFB];
	_ =	sdelay $0x3  }
0x92: {  	_ =	strace s18  }
0x93: {  	s3 =	sld [smem:$0x3FFC];
	_ =	sdelay $0x3  }
0x94: {  	_ =	strace s3  }
0x95: {  	s3 =	sld [smem:$0x3FFD];
	_ =	sdelay $0x3  }
0x96: {  	_ =	strace s3  }
0x97: {  	_ =	strace $0x8FFFFFFF  }
0x98: {  	s19 =	sld [smem:$0x3FDB];
	_ =	sdelay $0x1  }
0x99: {  	s4 =	simm.s32 $_scs_section_size  }
0x9a: {  	s5 =	simm.s32 $_size__tile_overlayer_lowered;
	s6 =	simm.s32 $_tile_overlayer_lowered  }
0x9b: {  	s22 =	simm.s32 $0x1BFF;
	s21 =	sshll.u32 s6, $0x1;
	s3 =	sadd.s32 s4, s19  }
0x9c: {  	s7 =	simm.s32 $0x0;
	s20 =	sshll.u32 s5, $0x1;
	s5 =	sadd.s32 s21, s3  }
0x9d: {  	[timem:s7], [sflag:s22] =	dma.local [hbm:s5], s20  }
0x9e: {  	_ =	swait.ge [sflag:s22], s20  }
0x9f: {  	s4 =	ssub.s32 $0x0, s20;
	[sflag:s22] =	ssyncset.done $0x0  }
0xa0: {  	[sflag:s22] =	ssyncadd.s32 s4;
	_ =	sdelay $0x1  }
0xa1: {  	s23 =	simm.s32 $0x1B8B  }
0xa2: {  	_ =	swait.ge [sflag:s23], $0x1  }
0xa3: {  	[sflag:s23] =	ssyncset.done $0x0  }
0xa4: {  	s25 =	simm.s32 $0x1B8E;
	s24 =	sld [smem:$0x3FFE];
	[sflag:s23] =	ssyncadd.s32 $0xFFFFFFFF  }
0xa5: {  	s26 =	simm.s32 $execute0_lowered;
	[smem:$0x3FD2] =	sst s25  }
0xa6: {  	s5 =	sshll.u32 s26, $0x1;
	_ =	strace $0x80000049;
	[dreg:$0x1] =	wrdreg $0xFFFFFFFF  }
0xa7: {  	s28 =	simm.s32 $_size_execute0_lowered;
	s3 =	sadd.s32 s3, s5;
	[dreg:$0x0] =	wrdreg $0x0  }
0xa8: {  	s5 =	sshll.u32 s28, $0x1;
	[dreg:$0x2] =	wrdreg s3  }
0xa9: {  	[dreg:$0x3] =	wrdreg s5  }
0xaa: {  	[dreg:$0x4] =	wrdreg $0xC0  }
0xab: {  	_ =	task [dreg:s7], $0x5FFFF  }
0xac: {  	[dreg:$0x1] =	wrdreg $0xFFFFFFFF  }
0xad: {  	[dreg:$0x0] =	wrdreg $0x60  }
0xae: {  	[dreg:$0x2] =	wrdreg s24  }
0xaf: {  	[dreg:$0x3] =	wrdreg s2  }
0xb0: {  	[dreg:$0x4] =	wrdreg $0x9  }
0xb1: {  	_ =	task.clear_ibuf [dreg:s7], $0x5FFFF;
	_ =	strace $0x90000049  }
0xb2: {  	s29 =	simm.s32 $0x9;
	_ =	strace $0x8000004B  }
0xb3: {  	_ =	swait.ge [sflag:s29], $0x1  }
0xb4: {  	[sflag:s29] =	ssyncadd.s32 $0xFFFFFFFF  }
0xb5: {  	_ =	strace $0x9000004B  }
0xb6: {  	_ =	sfence  }
0xb7: {  	s30 =	sld [smem:$0x0];
	_ =	sdelay $0x2  }
0xb8: {  	s31 =	sshll.u32 s1, $0xD;
	s1 =	sshrl.u32 s1, $0x2  }
0xb9: {  	s3 =	sand.u32 $0x4000, s31;
	s1 =	sadd.s32 s1, s30  }
0xba: {  	s0 =	sor.u32 s3, s0;
	s1 =	sshll.u32 s1, $0x11  }
0xbb: {  	s0 =	sor.u32 s1, s0  }
0xbc: {  	s0 =	sadd.s32 $0x8F2B, s0  }
0xbd: {  	[sflag:s0] =	ssyncadd.remote.s32 $0x1  }
0xbe: {  	_ =	sfence.sel $0xFFFF  }
0xbf: {  	[dreg:$0x0] =	wrdreg $0xFFFFFFFF;
	(pc) =	sbr.abs _section_cstart, $3  }
0xc0: {  	[dreg:$0x1] =	wrdreg $0xFFFFFFFF  }
0xc1: {  	_ =	task.clear_ibuf [dreg:s7], $0x2FFFF;
	_ =	strace $0x9FFFFFFF  }
0xc2: {  	(tm) =	ssettm $0x7FFFFFFF  }
0xc3: {  	_ =	shalt  }
tec
execute0_lowered:
.L_overlay_start_1:
0x0: {  	(tag) =	ssettag $0x1  }
0x1: {  	s3 =	rddreg [dreg:$0x0]  }
0x2: {  	s1 =	srdreg.scid;
	s0 =	stileid.u32  }
0x3: {  	s6 =	rddreg [dreg:$0x1];
	s2 =	simm.s32 $0x0;
	s13 =	simm.s32 $0x7780  }
0x4: {  	s14 =	simm.s32 $0x9F00;
	s15 =	simm.s32 $0x1;
	s16 =	simm.s32 $0x2  }
0x5: {  	s17 =	simm.s32 $0x3;
	s18 =	simm.s32 $0x4;
	s19 =	simm.s32 $0xC680  }
0x6: {  	s20 =	simm.s32 $0xEE80;
	s21 =	simm.s32 $0x11680;
	s22 =	simm.s32 $0x13E80  }
0x7: {  	s4 =	sand.u32 $0x1, s1;
	s5 =	sshll.u32 s0, $0x1;
	s1 =	rddreg [dreg:$0x2]  }
0x8: {  	s23 =	simm.s32 $0x0;
	[smem:$0x7FF] =	sst s2;
	s5 =	sor.u32 s4, s5  }
0x9: {  	s11 =	sadd.s32 $0x18600, s3;
	s4 =	ssub.s32 $0x2, s4;
	s7 =	smul.u32 $0x4E2, s5  }
0xa: {  	_ =	strace $0x8000004A;
	s8 =	sshrl.u32 s4, $0x1;
	s9 =	smul.u32 $0xA000, s5  }
0xb: {  	s30 =	smul.u32 $0x1400, s5;
	s12 =	ssub.s32 s4, s8;
	s10 =	sadd.s32 s7, s3  }
0xc: {  	s3 =	sadd.s32 $0x17B00, s3;
	s9 =	sshrl.u32 s9, $0x3;
	s6 =	sadd.s32 s6, s7  }
0xd: {  	s7 =	sadd.s32 s11, s30;
	s4 =	sadd.s32 $0xD800, s10;
	s5 =	sadd.s32 $0x3A00, s10  }
0xe: {  	s31 =	sadd.s32 s11, s9;
	s11 =	smax.u32 s12, $0x1;
	s12 =	simm.s32 $0x5000  }
0xf: {  	v0 =	vimm.f32 $0.0e+00;
	s8 =	sadd.s32 $0x500, s31;
	s9 =	sadd.s32 $0xA00, s31;
	s10 =	sadd.s32 $0xF00, s31  }
.LBB2_1:
0x10: {  	[tilespmem:s2], [sflag:$0x1] =	stream.linear.gather [hbm4b:s3+s2], $0x5000, $0x38;
	[tilespmem:$0x16680] =	vst v63  }
0x11: {  	_ = 	snop  }
0x12: {  	[tilespmem:s12], [sflag:$0x2] =	stream.linear.gather [hbm4b:s4+s2], $0x2710, $0x38;
	[tilespmem:$0x16680] =	vst v63  }
0x13: {  	_ = 	snop  }
0x14: {  	[tilespmem:s13], [sflag:$0x3] =	stream.linear.gather [hbm4b:s5+s2], $0x2710, $0x38;
	[tilespmem:$0x16680] =	vst v63  }
0x15: {  	s24 =	simm.s32 $0x0;
	s25 =	simm.s32 $0x100  }
0x16: {  	[tilespmem:s14], [sflag:$0x4] =	stream.linear.gather [hbm4b:s6+s2], $0x2710, $0x38;
	[tilespmem:$0x16680] =	vst v63  }
.LBB2_2:
0x17: {  	p0 =	sne.s32 s25, $0x9F00;
	[tilespmem:s24+$0x13EB0] =	vst v0  }
0x18: {  	[tilespmem:s24+$0xC680] =	vst v0  }
0x19: {  	[tilespmem:s24+$0xEE80] =	vst v0  }
0x1a: {  	[tilespmem:s24+$0x11680] =	vst v0  }
0x1b: {  	[tilespmem:s24+$0x13E80] =	vst v0  }
0x1c: {  	[tilespmem:s24+$0xC690] =	vst v0  }
0x1d: {  	[tilespmem:s24+$0xEE90] =	vst v0  }
0x1e: {  	[tilespmem:s24+$0x11690] =	vst v0  }
0x1f: {  	[tilespmem:s24+$0x13E90] =	vst v0  }
0x20: {  	[tilespmem:s24+$0xC6A0] =	vst v0  }
0x21: {  	[tilespmem:s24+$0xEEA0] =	vst v0  }
.Ltmp0:
0x22: {  	[tilespmem:s24+$0x116A0] =	vst v0;
	(pc) =	sbr.rel @p0 .LBB2_2-.Ltmp0, $4  }
0x23: {  	[tilespmem:s24+$0x13EA0] =	vst v0  }
0x24: {  	[tilespmem:s24+$0xC6B0] =	vst v0  }
0x25: {  	[tilespmem:s24+$0xEEB0] =	vst v0  }
0x26: {  	[tilespmem:s24+$0x116B0] =	vst v0;
	s24 =	sshra.s32 s25, $0x2;
	s25 =	sadd.s32 $0x100, s25  }
0x27: {  	[tilespmem:s24+$0x13EB0] =	vst v0  }
0x28: {  	[tilespmem:s24+$0xC680] =	vst v0  }
0x29: {  	[tilespmem:s24+$0xEE80] =	vst v0  }
0x2a: {  	[tilespmem:s24+$0x11680] =	vst v0  }
0x2b: {  	[tilespmem:s24+$0x13E80] =	vst v0  }
0x2c: {  	[tilespmem:s24+$0xC690] =	vst v0  }
0x2d: {  	[tilespmem:s24+$0xEE90] =	vst v0  }
0x2e: {  	[tilespmem:s24+$0x11690] =	vst v0  }
0x2f: {  	[tilespmem:s24+$0x13E90] =	vst v0  }
0x30: {  	[tilespmem:s24+$0xC6A0] =	vst v0  }
0x31: {  	[tilespmem:s24+$0xEEA0] =	vst v0  }
0x32: {  	[tilespmem:s24+$0x116A0] =	vst v0  }
0x33: {  	[tilespmem:s24+$0x13EA0] =	vst v0  }
0x34: {  	[tilespmem:s24+$0xC6B0] =	vst v0  }
0x35: {  	[tilespmem:s24+$0xEEB0] =	vst v0  }
0x36: {  	[tilespmem:s24+$0x116B0] =	vst v0  }
0x37: {  	_ =	swait.ge [sflag:s15], $0x5000  }
0x38: {  	[sflag:s15] =	ssyncset.done $0x0  }
0x39: {  	[sflag:s15] =	ssyncadd.s32 $0xFFFFB000  }
0x3a: {  	_ =	swait.ge [sflag:s16], $0x2710  }
0x3b: {  	[sflag:s16] =	ssyncset.done $0x0  }
0x3c: {  	[sflag:s16] =	ssyncadd.s32 $0xFFFFD8F0  }
0x3d: {  	_ =	swait.ge [sflag:s17], $0x2710  }
0x3e: {  	[sflag:s17] =	ssyncset.done $0x0  }
0x3f: {  	[sflag:s17] =	ssyncadd.s32 $0xFFFFD8F0  }
0x40: {  	_ =	swait.ge [sflag:s18], $0x2710  }
0x41: {  	[sflag:s18] =	ssyncset.done $0x0  }
0x42: {  	s25 =	simm.s32 $0x9F20;
	[sflag:s18] =	ssyncadd.s32 $0xFFFFD8F0  }
0x43: {  	v1 =	vld [tilespmem:s25+$0xFFFFFFF0]  }
0x44: {  	v2 =	vld [tilespmem:s25+$0x0]  }
0x45: {  	v6 =	vld [tilespmem:s25+$0x10]  }
0x46: {  	v4 =	vld [tilespmem:s25+$0x20]  }
0x47: {  	s24 =	simm.s32 $0x5020;
	v10 =	vld [tilespmem:s25+$0xFFFFFFE0]  }
0x48: {  	v3 =	vld [tilespmem:s24+$0x0]  }
0x49: {  	v14 =	vld [tilespmem:s24+$0xFFFFFFE0]  }
0x4a: {  	v9 =	vld [tilespmem:s24+$0x20]  }
0x4b: {  	v15 =	vld [tilespmem:s24+$0x10]  }
0x4c: {  	s25 =	simm.s32 $0x77A0;
	v8 =	vld [tilespmem:s24+$0xFFFFFFF0]  }
0x4d: {  	v5 =	vld [tilespmem:s25+$0xFFFFFFF0]  }
0x4e: {  	v19 =	vld [tilespmem:s25+$0xFFFFFFE0]  }
0x4f: {  	v12 =	vld [tilespmem:s25+$0x0]  }
0x50: {  	v17 =	vld [tilespmem:s25+$0x20]  }
0x51: {  	v13 =	vld [tilespmem:s25+$0x10]  }
0x52: {  	v25 =	vld.idx.msk [tilespmem:v14+s2+$0x0], $0xffff  }
0x53: {  	v26 =	vld.idx.msk [tilespmem:v9+s2+$0x0], $0xffff  }
0x54: {  	v28 =	vld.idx.msk [tilespmem:v15+s2+$0x0], $0xffff  }
0x55: {  	v23 =	vld.idx.msk [tilespmem:v8+s2+$0x0], $0xffff  }
0x56: {  	v22 =	vadd.s32 $0x2800, v14;
	v30 =	vld.idx.msk [tilespmem:v3+s2+$0x0], $0xffff  }
0x57: {  	v7 =	vld.idx.msk [tilespmem:v5+s2+$0x0], $0xffff  }
0x58: {  	v24 =	vadd.s32 $0x2800, v9;
	v18 =	vld.idx.msk [tilespmem:v12+s2+$0x0], $0xffff  }
0x59: {  	v11 =	vadd.s32 $0x2800, v5;
	v20 =	vld.idx.msk [tilespmem:v13+s2+$0x0], $0xffff  }
0x5a: {  	v16 =	vadd.s32 $0x2800, v12;
	v27 =	vld.idx.msk [tilespmem:v19+s2+$0x0], $0xffff  }
0x5b: {  	v21 =	vadd.s32 $0x2800, v13;
	v33 =	vld.idx.msk [tilespmem:v22+s2+$0x0], $0xffff  }
0x5c: {  	v29 =	vadd.s32 $0x2800, v19;
	v22 =	vld.idx.msk [tilespmem:v17+s2+$0x0], $0xffff  }
0x5d: {  	v32 =	vadd.s32 $0x2800, v17;
	v31 =	vld.idx.msk [tilespmem:v24+s2+$0x0], $0xffff  }
0x5e: {  	v34 =	vadd.s32 $0x2800, v15;
	v11 =	vld.idx.msk [tilespmem:v11+s2+$0x0], $0xffff  }
0x5f: {  	v16 =	vld.idx.msk [tilespmem:v16+s2+$0x0], $0xffff  }
0x60: {  	v35 =	vadd.s32 $0x2800, v3;
	v21 =	vld.idx.msk [tilespmem:v21+s2+$0x0], $0xffff  }
0x61: {  	v29 =	vld.idx.msk [tilespmem:v29+s2+$0x0], $0xffff  }
0x62: {  	v24 =	vld.idx.msk [tilespmem:v32+s2+$0x0], $0xffff  }
0x63: {  	v32 =	vld.idx.msk [tilespmem:v34+s2+$0x0], $0xffff  }
0x64: {  	[tilespmem:v19+s19+$0x0] =	vst.idx.add.f32.msk $0xffff, v25  }
0x65: {  	s26 =	simm.s32 $0x0;
	s28 =	simm.s32 $0x9F70;
	v25 =	vadd.s32 $0x2800, v8;
	v34 =	vmul.f32 v33, v10;
	v33 =	vld.idx.msk [tilespmem:v35+s2+$0x0], $0xffff  }
.LBB2_4:
0x66: {  	s26 =	sadd.s32 $0x5, s26;
	[tilespmem:v13+s19+$0x0] =	vst.idx.add.f32.msk $0xffff, v28;
	s24 =	sadd.s32 $0x50, s24;
	s25 =	sadd.s32 $0x50, s25  }
0x67: {  	p0 =	slt.u32 s26, $0x26C;
	[tilespmem:v17+s19+$0x0] =	vst.idx.add.f32.msk $0xffff, v26  }
0x68: {  	[tilespmem:v19+s20+$0x0] =	vst.idx.add.f32.msk $0xffff, v34  }
0x69: {  	v19 =	vmul.f32 v31, v4;
	[tilespmem:v12+s19+$0x0] =	vst.idx.add.f32.msk $0xffff, v30  }
0x6a: {  	v10 =	vmul.f32 v29, v10;
	[tilespmem:v14+s21+$0x0] =	vst.idx.add.f32.msk $0xffff, v27  }
0x6b: {  	v26 =	vmul.f32 v32, v6;
	[tilespmem:v17+s20+$0x0] =	vst.idx.add.f32.msk $0xffff, v19  }
0x6c: {  	v19 =	vmul.f32 v33, v2;
	v17 =	vld.idx.msk [tilespmem:v25+s2+$0x0], $0xffff  }
0x6d: {  	[tilespmem:v5+s19+$0x0] =	vst.idx.add.f32.msk $0xffff, v23  }
0x6e: {  	[tilespmem:v12+s20+$0x0] =	vst.idx.add.f32.msk $0xffff, v19  }
0x6f: {  	[tilespmem:v13+s20+$0x0] =	vst.idx.add.f32.msk $0xffff, v26  }
0x70: {  	v6 =	vmul.f32 v21, v6;
	[tilespmem:v14+s22+$0x0] =	vst.idx.add.f32.msk $0xffff, v10  }
0x71: {  	[tilespmem:v15+s21+$0x0] =	vst.idx.add.f32.msk $0xffff, v20  }
0x72: {  	v10 =	vmul.f32 v17, v1;
	[tilespmem:v15+s22+$0x0] =	vst.idx.add.f32.msk $0xffff, v6  }
0x73: {  	v4 =	vmul.f32 v24, v4;
	[tilespmem:v3+s21+$0x0] =	vst.idx.add.f32.msk $0xffff, v18  }
0x74: {  	[tilespmem:v9+s21+$0x0] =	vst.idx.add.f32.msk $0xffff, v22  }
0x75: {  	[tilespmem:v9+s22+$0x0] =	vst.idx.add.f32.msk $0xffff, v4  }
0x76: {  	v2 =	vmul.f32 v16, v2;
	v1 =	vmul.f32 v11, v1;
	[tilespmem:v5+s20+$0x0] =	vst.idx.add.f32.msk $0xffff, v10  }
0x77: {  	[tilespmem:v8+s21+$0x0] =	vst.idx.add.f32.msk $0xffff, v7  }
0x78: {  	[tilespmem:v8+s22+$0x0] =	vst.idx.add.f32.msk $0xffff, v1  }
0x79: {  	[tilespmem:v3+s22+$0x0] =	vst.idx.add.f32.msk $0xffff, v2  }
0x7a: {  	v1 =	vld [tilespmem:s28+$0xFFFFFFF0]  }
0x7b: {  	v2 =	vld [tilespmem:s28+$0x0]  }
0x7c: {  	v6 =	vld [tilespmem:s28+$0x10]  }
0x7d: {  	v4 =	vld [tilespmem:s28+$0x20]  }
0x7e: {  	v10 =	vld [tilespmem:s28+$0xFFFFFFE0]  }
0x7f: {  	v3 =	vld [tilespmem:s24+$0x0]  }
0x80: {  	v5 =	vld [tilespmem:s25+$0xFFFFFFF0]  }
0x81: {  	v19 =	vld [tilespmem:s25+$0xFFFFFFE0]  }
0x82: {  	v12 =	vld [tilespmem:s25+$0x0]  }
0x83: {  	v17 =	vld [tilespmem:s25+$0x20]  }
0x84: {  	v13 =	vld [tilespmem:s25+$0x10]  }
0x85: {  	v14 =	vld [tilespmem:s24+$0xFFFFFFE0];
	v11 =	vadd.s32 $0x2800, v5  }
0x86: {  	v9 =	vld [tilespmem:s24+$0x20]  }
0x87: {  	v16 =	vadd.s32 $0x2800, v12;
	v15 =	vld [tilespmem:s24+$0x10]  }
0x88: {  	v7 =	vld.idx.msk [tilespmem:v5+s2+$0x0], $0xffff  }
0x89: {  	v8 =	vld [tilespmem:s24+$0xFFFFFFF0];
	v21 =	vadd.s32 $0x2800, v13  }
0x8a: {  	v22 =	vadd.s32 $0x2800, v14;
	v11 =	vld.idx.msk [tilespmem:v11+s2+$0x0], $0xffff  }
0x8b: {  	v18 =	vld.idx.msk [tilespmem:v12+s2+$0x0], $0xffff;
	v24 =	vadd.s32 $0x2800, v9  }
0x8c: {  	v16 =	vld.idx.msk [tilespmem:v16+s2+$0x0], $0xffff;
	v32 =	vadd.s32 $0x2800, v15  }
0x8d: {  	v35 =	vadd.s32 $0x2800, v3;
	v33 =	vld.idx.msk [tilespmem:v14+s2+$0x0], $0xffff  }
0x8e: {  	v25 =	vadd.s32 $0x2800, v8;
	v20 =	vld.idx.msk [tilespmem:v13+s2+$0x0], $0xffff  }
0x8f: {  	v29 =	vadd.s32 $0x2800, v19;
	v21 =	vld.idx.msk [tilespmem:v21+s2+$0x0], $0xffff  }
0x90: {  	v26 =	vld.idx.msk [tilespmem:v9+s2+$0x0], $0xffff  }
0x91: {  	v36 =	vadd.s32 $0x2800, v17;
	v28 =	vld.idx.msk [tilespmem:v15+s2+$0x0], $0xffff  }
0x92: {  	v23 =	vld.idx.msk [tilespmem:v8+s2+$0x0], $0xffff  }
0x93: {  	v34 =	vld.idx.msk [tilespmem:v22+s2+$0x0], $0xffff  }
0x94: {  	v27 =	vld.idx.msk [tilespmem:v19+s2+$0x0], $0xffff  }
0x95: {  	v30 =	vld.idx.msk [tilespmem:v3+s2+$0x0], $0xffff  }
0x96: {  	v22 =	vld.idx.msk [tilespmem:v17+s2+$0x0], $0xffff  }
0x97: {  	v31 =	vld.idx.msk [tilespmem:v24+s2+$0x0], $0xffff  }
.Ltmp1:
0x98: {  	v29 =	vld.idx.msk [tilespmem:v29+s2+$0x0], $0xffff;
	(pc) =	sbr.rel @p0 .LBB2_4-.Ltmp1, $4  }
0x99: {  	v34 =	vmul.f32 v34, v10;
	v24 =	vld.idx.msk [tilespmem:v36+s2+$0x0], $0xffff  }
0x9a: {  	v32 =	vld.idx.msk [tilespmem:v32+s2+$0x0], $0xffff  }
0x9b: {  	[tilespmem:v19+s19+$0x0] =	vst.idx.add.f32.msk $0xffff, v33  }
0x9c: {  	s28 =	sadd.s32 $0x50, s28;
	v33 =	vld.idx.msk [tilespmem:v35+s2+$0x0], $0xffff  }
0x9d: {  	_ =	sdelay $0x3  }
0x9e: {  	[tilespmem:v13+s19+$0x0] =	vst.idx.add.f32.msk $0xffff, v28  }
0x9f: {  	[tilespmem:v17+s19+$0x0] =	vst.idx.add.f32.msk $0xffff, v26  }
0xa0: {  	[tilespmem:v19+s20+$0x0] =	vst.idx.add.f32.msk $0xffff, v34  }
0xa1: {  	[tilespmem:v12+s19+$0x0] =	vst.idx.add.f32.msk $0xffff, v30  }
0xa2: {  	v58 =	vld.idx.msk [tilespmem:v25+s2+$0x0], $0xffff  }
0xa3: {  	v57 =	vmul.f32 v31, v4;
	[tilespmem:v5+s19+$0x0] =	vst.idx.add.f32.msk $0xffff, v23  }
0xa4: {  	v10 =	vmul.f32 v29, v10;
	[tilespmem:v14+s21+$0x0] =	vst.idx.add.f32.msk $0xffff, v27  }
0xa5: {  	[tilespmem:v17+s20+$0x0] =	vst.idx.add.f32.msk $0xffff, v57  }
0xa6: {  	v60 =	vmul.f32 v32, v6;
	[tilespmem:v14+s22+$0x0] =	vst.idx.add.f32.msk $0xffff, v10  }
0xa7: {  	v62 =	vmul.f32 v24, v4;
	[tilespmem:v9+s21+$0x0] =	vst.idx.add.f32.msk $0xffff, v22  }
0xa8: {  	[tilespmem:v13+s20+$0x0] =	vst.idx.add.f32.msk $0xffff, v60  }
0xa9: {  	v59 =	vmul.f32 v33, v2;
	[tilespmem:v9+s22+$0x0] =	vst.idx.add.f32.msk $0xffff, v62  }
0xaa: {  	v61 =	vmul.f32 v21, v6;
	[tilespmem:v15+s21+$0x0] =	vst.idx.add.f32.msk $0xffff, v20  }
0xab: {  	[tilespmem:v12+s20+$0x0] =	vst.idx.add.f32.msk $0xffff, v59  }
0xac: {  	v63 =	vmul.f32 v58, v1;
	[tilespmem:v15+s22+$0x0] =	vst.idx.add.f32.msk $0xffff, v61  }
0xad: {  	[tilespmem:v3+s21+$0x0] =	vst.idx.add.f32.msk $0xffff, v18  }
0xae: {  	v2 =	vmul.f32 v16, v2;
	[tilespmem:v5+s20+$0x0] =	vst.idx.add.f32.msk $0xffff, v63  }
0xaf: {  	v1 =	vmul.f32 v11, v1;
	[tilespmem:v8+s21+$0x0] =	vst.idx.add.f32.msk $0xffff, v7  }
0xb0: {  	[tilespmem:v3+s22+$0x0] =	vst.idx.add.f32.msk $0xffff, v2  }
0xb1: {  	[tilespmem:v8+s22+$0x0] =	vst.idx.add.f32.msk $0xffff, v1  }
0xb2: {  	[hbm4b:s7+s2] =	stream.linear.scatter [tilespmem:s19], [sflag:$0x1], $0x2800, $0x38;
	[tilespmem:$0x16680] =	vst v63  }
0xb3: {  	_ = 	snop  }
0xb4: {  	[hbm4b:s8+s2] =	stream.linear.scatter [tilespmem:s20], [sflag:$0x2], $0x2800, $0x38;
	[tilespmem:$0x16680] =	vst v63  }
0xb5: {  	_ = 	snop  }
0xb6: {  	[hbm4b:s9+s2] =	stream.linear.scatter [tilespmem:s21], [sflag:$0x3], $0x2800, $0x38;
	[tilespmem:$0x16680] =	vst v63  }
0xb7: {  	_ = 	snop  }
0xb8: {  	[hbm4b:s10+s2] =	stream.linear.scatter [tilespmem:s22], [sflag:$0x4], $0x2800, $0x38;
	[tilespmem:$0x16680] =	vst v63  }
0xb9: {  	_ =	swait.ge [sflag:s15], $0x2800  }
0xba: {  	[sflag:s15] =	ssyncset.done $0x0  }
0xbb: {  	[sflag:s15] =	ssyncadd.s32 $0xFFFFD800  }
0xbc: {  	_ =	swait.ge [sflag:s16], $0x2800  }
0xbd: {  	[sflag:s16] =	ssyncset.done $0x0  }
0xbe: {  	s23 =	sadd.s32 $0x1, s23;
	[sflag:s16] =	ssyncadd.s32 $0xFFFFD800  }
0xbf: {  	p0 =	sne.s32 s23, s11;
	_ =	swait.ge [sflag:s17], $0x2800  }
.Ltmp2:
0xc0: {  	[sflag:s17] =	ssyncset.done $0x0;
	(pc) =	sbr.rel @p0 .LBB2_1-.Ltmp2, $4  }
0xc1: {  	[sflag:s17] =	ssyncadd.s32 $0xFFFFD800  }
0xc2: {  	_ =	swait.ge [sflag:s18], $0x2800  }
0xc3: {  	[sflag:s18] =	ssyncset.done $0x0  }
0xc4: {  	[sflag:s18] =	ssyncadd.s32 $0xFFFFD800  }
0xc5: {  	_ =	sfence.sel $0x180000  }
0xc6: {  	[bflag:$0x0] =	sbarrier.arrive $0xFFFF  }
0xc7: {  	p0 =	sne.s32 s0, $0x0;
	_ =	strace $0x9000004A  }
0xc8: {  	s0 =	sadd.s32 @!p0 $0x100000, s1;
	[bflag:$0x2] =	sbarrier.arrive $0xFFFF  }
0xc9: {  	[sflag:s0] =	ssyncadd.tile.s32 @!p0 $0x1;
	_ =	shalt  }
.Lfunc_end2:
_tile_overlayer_lowered:
.L_overlay_start_2:
0xca: {  	(tag) =	ssettag $0x2  }
0xcb: {  	s0 =	rddreg [dreg:$0x0];
	s2 =	stileid.u32  }
0xcc: {  	s1 =	rddreg [dreg:$0x1];
	p0 =	sne.s32 s2, $0x0  }
0xcd: {  	s3 =	rddreg [dreg:$0x2];
	[bflag:$0x3] =	sbarrier.arrive $0xFFFF;
	s2 =	simm.s32 @!p0 $0x1C06  }
0xce: {  	[timem:s3], [sflag:s2] =	dma.local @!p0 [hbm:s0], s1  }
0xcf: {  	s0 =	simm.s32 @!p0 $0x6  }
0xd0: {  	_ =	swait.ge @!p0 [sflag:s0], s1  }
0xd1: {  	s1 =	ssub.s32 @!p0 $0x0, s1;
	[sflag:s0] =	ssyncset.done @!p0 $0x0  }
0xd2: {  	[sflag:s0] =	ssyncadd.s32 @!p0 s1  }
0xd3: {  	[bflag:$0x3] =	sbarrier.arrive $0xFFFF  }
0xd4: {  	_ =	shalt  }

// kernel: kernel.7.cloned.1.call-start
scs
__scs_entry_jumppad:
0x0: {  	(pc) =	sbr.rel $0x88, $3  }
0x1: {  	(tag) =	ssettag $0x0;
	lr =	simm.s32 $0x1  }
0x2: {  	[smem:$0x3F88] =	sst lr;
	_ =	strace $0xD0000000  }
0x3: {  	_ = 	snop  }
0x4: {  	_ = 	snop  }
0x5: {  	_ = 	snop  }
0x6: {  	_ = 	snop  }
0x7: {  	_ = 	snop  }
__scs_overlays_trampoline_lowered:
0x8: {  	[smem:$0x3F97] =	sst s0  }
0x9: {  	[smem:$0x3F98] =	sst s1  }
0xa: {  	[smem:$0x3F99] =	sst s2  }
0xb: {  	[smem:$0x3F9A] =	sst s3  }
0xc: {  	[smem:$0x3F9B] =	sst s4  }
0xd: {  	[smem:$0x3F9C] =	sst s5  }
0xe: {  	[smem:$0x3F9D] =	sst s6  }
0xf: {  	[smem:$0x3F9E] =	sst s7  }
0x10: {  	[smem:$0x3F9F] =	sst s8  }
0x11: {  	[smem:$0x3FA0] =	sst s9;
	s0 =	simm.s32 @!p0 $0x0  }
0x12: {  	s1 =	sld [smem:$0x3F86];
	s0 =	simm.s32 @p0 $0x1  }
0x13: {  	[smem:$0x3FA1] =	sst s0;
	s0 =	simm.s32 @!p1 $0x0  }
0x14: {  	s2 =	sld [smem:$0x3F85];
	s0 =	simm.s32 @p1 $0x1  }
0x15: {  	[smem:$0x3FA2] =	sst s0;
	s0 =	simm.s32 @!p2 $0x0  }
0x16: {  	s3 =	sld [smem:$0x3FDB];
	s0 =	simm.s32 @p2 $0x1  }
0x17: {  	s4 =	simm.s32 $0x1BF5;
	[smem:$0x3FA4] =	sst s0  }
0x18: {  	s0 =	sld [smem:$0x3F87];
	_ =	swait.ge [sflag:s4], $0x0  }
0x19: {  	s7 =	sld [smem:$0x3F88]  }
0x1a: {  	s8 =	sadd.s32 $0xFFFFE003, lr  }
0x1b: {  	s9 =	sadd.s32 $0xFFFFFEF7, lr;
	s5 =	simm.s32 $0xFFFFFFFF;
	p2 =	slt.u32 s8, $0xFFFFF086  }
0x1c: {  	p1 =	slt.u32 s9, $0xF7A;
	s5 =	simm.s32 @!p2 $0x0  }
0x1d: {  	s5 =	simm.s32 @p1 $0x1;
	p0 =	seq.s32 s7, s2  }
0x1e: {  	s7 =	smul.u32 @!p0 $0xF7A, s2;
	p2 =	seq.s32 @!p0 s5, $0x0  }
0x1f: {  	s9 =	smul.u32 $0xF7A, s1;
	s8 =	simm.s32 @!p0 $0x1BF5;
	p2 =	por !p2, p0  }
0x20: {  	[sflag:s8] =	ssyncset.s32 @!p0 $0xFFFFF086;
	s6 =	sadd.s32 @!p0 s3, s7;
	s7 =	simm.s32 @!p0 $0x108  }
0x21: {  	s3 =	sadd.s32 s3, s9;
	s6 =	sadd.s32 @!p0 $0x88, s6;
	s7 =	simm.s32 @p2 $0x1082  }
0x22: {  	[simem:s7], [sflag:s8] =	dma.local @!p0 [hbm:s6], $0xF7A  }
0x23: {  	s9 =	sor.u32 $0xD0000000, s2;
	s6 =	simm.s32 $0x108;
	_ =	swait.ge @!p0 [sflag:s8], $0x0  }
0x24: {  	s3 =	sadd.s32 $0x88, s3;
	s6 =	simm.s32 @!p1 $0x1082;
	[sflag:s4] =	ssyncset.s32 $0xFFFFF086  }
0x25: {  	[simem:s6], [sflag:s4] =	dma.local [hbm:s3], $0xF7A  }
0x26: {  	[smem:$0x3F88] =	sst s1;
	(tag) =	ssettag s2;
	_ =	strace s9  }
0x27: {  	s1 =	sld [smem:$0x3F98]  }
0x28: {  	s2 =	sld [smem:$0x3F99]  }
0x29: {  	s4 =	sld [smem:$0x3F9B]  }
0x2a: {  	p0 =	seq.s32 s5, $0x0;
	s5 =	sld [smem:$0x3F9C]  }
0x2b: {  	s6 =	sld [smem:$0x3F9D]  }
0x2c: {  	s7 =	sld [smem:$0x3F9E]  }
0x2d: {  	s3 =	simm.s32 $0x108;
	s8 =	sld [smem:$0x3F9F]  }
0x2e: {  	s3 =	simm.s32 @!p0 $0x1082;
	s9 =	sld [smem:$0x3FA0]  }
0x2f: {  	lr =	sadd.s32 s0, s3;
	s0 =	sld [smem:$0x3F97]  }
0x30: {  	s3 =	sld [smem:$0x3F9A]  }
0x31: {  	[smem:$0x3FA3] =	sst s10  }
0x32: {  	s10 =	sld [smem:$0x3FA1];
	_ =	sdelay $0x3  }
0x33: {  	p0 =	seq.s32 s10, $0x1;
	s10 =	sld [smem:$0x3FA3];
	_ =	sdelay $0x3  }
0x34: {  	[smem:$0x3FA3] =	sst s10  }
0x35: {  	s10 =	sld [smem:$0x3FA2];
	_ =	sdelay $0x3  }
0x36: {  	p1 =	seq.s32 s10, $0x1;
	s10 =	sld [smem:$0x3FA3];
	_ =	sdelay $0x3  }
0x37: {  	[smem:$0x3FA3] =	sst s10  }
0x38: {  	s10 =	sld [smem:$0x3FA4]  }
0x39: {  	_ = 	snop;
	(pc) =	sbr.ind lr, $3  }
0x3a: {  	_ = 	snop  }
0x3b: {  	_ = 	snop  }
0x3c: {  	p2 =	seq.s32 s10, $0x1;
	s10 =	sld [smem:$0x3FA3]  }
0x3d: {  	_ =	shalt  }
0x3e: {  	_ =	shalt  }
0x3f: {  	_ =	shalt  }
0x40: {  	_ =	shalt  }
0x41: {  	_ =	shalt  }
0x42: {  	_ =	shalt  }
0x43: {  	_ =	shalt  }
0x44: {  	_ =	shalt  }
0x45: {  	_ =	shalt  }
0x46: {  	_ =	shalt  }
0x47: {  	_ =	shalt  }
0x48: {  	_ =	shalt  }
0x49: {  	_ =	shalt  }
0x4a: {  	_ =	shalt  }
0x4b: {  	_ =	shalt  }
0x4c: {  	_ =	shalt  }
0x4d: {  	_ =	shalt  }
0x4e: {  	_ =	shalt  }
0x4f: {  	_ =	shalt  }
0x50: {  	_ =	shalt  }
0x51: {  	_ =	shalt  }
0x52: {  	_ =	shalt  }
0x53: {  	_ =	shalt  }
0x54: {  	_ =	shalt  }
0x55: {  	_ =	shalt  }
0x56: {  	_ =	shalt  }
0x57: {  	_ =	shalt  }
0x58: {  	_ =	shalt  }
0x59: {  	_ =	shalt  }
0x5a: {  	_ =	shalt  }
0x5b: {  	_ =	shalt  }
0x5c: {  	_ =	shalt  }
0x5d: {  	_ =	shalt  }
0x5e: {  	_ =	shalt  }
0x5f: {  	_ =	shalt  }
0x60: {  	_ =	shalt  }
0x61: {  	_ =	shalt  }
0x62: {  	_ =	shalt  }
0x63: {  	_ =	shalt  }
0x64: {  	_ =	shalt  }
0x65: {  	_ =	shalt  }
0x66: {  	_ =	shalt  }
0x67: {  	_ =	shalt  }
0x68: {  	_ =	shalt  }
0x69: {  	_ =	shalt  }
0x6a: {  	_ =	shalt  }
0x6b: {  	_ =	shalt  }
0x6c: {  	_ =	shalt  }
0x6d: {  	_ =	shalt  }
0x6e: {  	_ =	shalt  }
0x6f: {  	_ =	shalt  }
0x70: {  	_ =	shalt  }
0x71: {  	_ =	shalt  }
0x72: {  	_ =	shalt  }
0x73: {  	_ =	shalt  }
0x74: {  	_ =	shalt  }
0x75: {  	_ =	shalt  }
0x76: {  	_ =	shalt  }
0x77: {  	_ =	shalt  }
0x78: {  	_ =	shalt  }
0x79: {  	_ =	shalt  }
0x7a: {  	_ =	shalt  }
0x7b: {  	_ =	shalt  }
0x7c: {  	_ =	shalt  }
0x7d: {  	_ =	shalt  }
0x7e: {  	_ =	shalt  }
0x7f: {  	_ =	shalt  }
0x80: {  	_ =	shalt  }
0x81: {  	_ =	shalt  }
0x82: {  	_ =	shalt  }
0x83: {  	_ =	shalt  }
0x84: {  	_ =	shalt  }
0x85: {  	_ =	shalt  }
0x86: {  	_ =	shalt  }
0x87: {  	_ =	shalt  }
.Lfunc_end0:
.L_simem_size_0:
called_computation_lowered:
.L_overlay_start_0:
0x88: {  	s2 =	sld [smem:$0x3FD9]  }
0x89: {  	s3 =	sld [smem:$0x3FFE];
	_ =	sdelay $0x1  }
0x8a: {  	s1 =	srdreg.scid  }
0x8b: {  	s0 =	sand.u32 $0x1, s1  }
0x8c: {  	s17 =	sshll.u32 s0, $0xA;
	s2 =	sadd.s32 s3, s2  }
0x8d: {  	s2 =	sadd.s32 s2, s17  }
0x8e: {  	[smem:$0x3FAF] =	sst s2  }
0x8f: {  	_ = 	snop  }
0x90: {  	s2 =	sld [smem:$0x3FC7];
	(tm) =	ssettm $0x1  }
0x91: {  	s18 =	sld [smem:$0x3FFB];
	_ =	sdelay $0x3  }
0x92: {  	_ =	strace s18  }
0x93: {  	s3 =	sld [smem:$0x3FFC];
	_ =	sdelay $0x3  }
0x94: {  	_ =	strace s3  }
0x95: {  	s3 =	sld [smem:$0x3FFD];
	_ =	sdelay $0x3  }
0x96: {  	_ =	strace s3  }
0x97: {  	_ =	strace $0x8FFFFFFF  }
0x98: {  	s19 =	sld [smem:$0x3FDB];
	_ =	sdelay $0x1  }
0x99: {  	s4 =	simm.s32 $_scs_section_size  }
0x9a: {  	s5 =	simm.s32 $_size__tile_overlayer_lowered;
	s6 =	simm.s32 $_tile_overlayer_lowered  }
0x9b: {  	s22 =	simm.s32 $0x1BFF;
	s21 =	sshll.u32 s6, $0x1;
	s3 =	sadd.s32 s4, s19  }
0x9c: {  	s7 =	simm.s32 $0x0;
	s20 =	sshll.u32 s5, $0x1;
	s5 =	sadd.s32 s21, s3  }
0x9d: {  	[timem:s7], [sflag:s22] =	dma.local [hbm:s5], s20  }
0x9e: {  	_ =	swait.ge [sflag:s22], s20  }
0x9f: {  	s4 =	ssub.s32 $0x0, s20;
	[sflag:s22] =	ssyncset.done $0x0  }
0xa0: {  	[sflag:s22] =	ssyncadd.s32 s4;
	_ =	sdelay $0x1  }
0xa1: {  	s23 =	simm.s32 $0x1B8B  }
0xa2: {  	_ =	swait.ge [sflag:s23], $0x1  }
0xa3: {  	[sflag:s23] =	ssyncset.done $0x0  }
0xa4: {  	s25 =	simm.s32 $0x1B8E;
	s24 =	sld [smem:$0x3FFE];
	[sflag:s23] =	ssyncadd.s32 $0xFFFFFFFF  }
0xa5: {  	s26 =	simm.s32 $execute0_lowered;
	[smem:$0x3FD2] =	sst s25  }
0xa6: {  	s5 =	sshll.u32 s26, $0x1;
	_ =	strace $0x80000046;
	[dreg:$0x1] =	wrdreg $0xFFFFFFFF  }
0xa7: {  	s28 =	simm.s32 $_size_execute0_lowered;
	s3 =	sadd.s32 s3, s5;
	[dreg:$0x0] =	wrdreg $0x0  }
0xa8: {  	s5 =	sshll.u32 s28, $0x1;
	[dreg:$0x2] =	wrdreg s3  }
0xa9: {  	[dreg:$0x3] =	wrdreg s5  }
0xaa: {  	[dreg:$0x4] =	wrdreg $0xC0  }
0xab: {  	_ =	task [dreg:s7], $0x5FFFF  }
0xac: {  	[dreg:$0x1] =	wrdreg $0xFFFFFFFF  }
0xad: {  	[dreg:$0x0] =	wrdreg $0x60  }
0xae: {  	[dreg:$0x2] =	wrdreg s24  }
0xaf: {  	[dreg:$0x3] =	wrdreg s2  }
0xb0: {  	[dreg:$0x4] =	wrdreg $0x9  }
0xb1: {  	_ =	task.clear_ibuf [dreg:s7], $0x5FFFF;
	_ =	strace $0x90000046  }
0xb2: {  	s29 =	simm.s32 $0x9;
	_ =	strace $0x80000048  }
0xb3: {  	_ =	swait.ge [sflag:s29], $0x1  }
0xb4: {  	[sflag:s29] =	ssyncadd.s32 $0xFFFFFFFF  }
0xb5: {  	_ =	strace $0x90000048  }
0xb6: {  	_ =	sfence  }
0xb7: {  	s30 =	sld [smem:$0x0];
	_ =	sdelay $0x2  }
0xb8: {  	s31 =	sshll.u32 s1, $0xD;
	s1 =	sshrl.u32 s1, $0x2  }
0xb9: {  	s3 =	sand.u32 $0x4000, s31;
	s1 =	sadd.s32 s1, s30  }
0xba: {  	s0 =	sor.u32 s3, s0;
	s1 =	sshll.u32 s1, $0x11  }
0xbb: {  	s0 =	sor.u32 s1, s0  }
0xbc: {  	s0 =	sadd.s32 $0x8F2B, s0  }
0xbd: {  	[sflag:s0] =	ssyncadd.remote.s32 $0x1  }
0xbe: {  	_ =	sfence.sel $0xFFFF  }
0xbf: {  	[dreg:$0x0] =	wrdreg $0xFFFFFFFF;
	(pc) =	sbr.abs _section_cstart, $3  }
0xc0: {  	[dreg:$0x1] =	wrdreg $0xFFFFFFFF  }
0xc1: {  	_ =	task.clear_ibuf [dreg:s7], $0x2FFFF;
	_ =	strace $0x9FFFFFFF  }
0xc2: {  	(tm) =	ssettm $0x7FFFFFFF  }
0xc3: {  	_ =	shalt  }
tec
execute0_lowered:
.L_overlay_start_1:
0x0: {  	(tag) =	ssettag $0x1  }
0x1: {  	s3 =	rddreg [dreg:$0x0]  }
0x2: {  	s1 =	srdreg.scid;
	s0 =	stileid.u32  }
0x3: {  	s6 =	rddreg [dreg:$0x1];
	s2 =	simm.s32 $0x0;
	s14 =	simm.s32 $0x7780  }
0x4: {  	s15 =	simm.s32 $0x9F00;
	s16 =	simm.s32 $0x1;
	s17 =	simm.s32 $0x2  }
0x5: {  	s18 =	simm.s32 $0x3;
	s19 =	simm.s32 $0x4;
	s20 =	simm.s32 $0xC680  }
0x6: {  	s21 =	simm.s32 $0xEE80;
	s22 =	simm.s32 $0x11680;
	s23 =	simm.s32 $0x13E80  }
0x7: {  	s24 =	simm.s32 $0x16680;
	s4 =	sand.u32 $0x1, s1;
	s5 =	sshll.u32 s0, $0x1  }
0x8: {  	s25 =	simm.s32 $0x5;
	s1 =	rddreg [dreg:$0x2];
	s5 =	sor.u32 s4, s5  }
0x9: {  	s26 =	simm.s32 $0x0;
	[smem:$0x7FF] =	sst s2;
	s7 =	smul.u32 $0x4E2, s5  }
0xa: {  	s11 =	sadd.s32 $0x18600, s3;
	s4 =	ssub.s32 $0x2, s4;
	s9 =	smul.u32 $0xC800, s5  }
0xb: {  	_ =	strace $0x80000047;
	s8 =	sshrl.u32 s4, $0x1;
	s31 =	smul.u32 $0x1900, s5  }
0xc: {  	s12 =	ssub.s32 s4, s8;
	s10 =	sadd.s32 s7, s3;
	s3 =	sadd.s32 $0x17B00, s3  }
0xd: {  	s9 =	sshrl.u32 s9, $0x3;
	s6 =	sadd.s32 s6, s7;
	s7 =	sadd.s32 s11, s31  }
0xe: {  	s12 =	smax.u32 s12, $0x1;
	s4 =	sadd.s32 $0xD800, s10;
	s13 =	sadd.s32 s11, s9  }
0xf: {  	s5 =	sadd.s32 $0x3A00, s10;
	s8 =	sadd.s32 $0x500, s13;
	s9 =	sadd.s32 $0xA00, s13  }
0x10: {  	v0 =	vimm.f32 $0.0e+00;
	v1 =	vimm.f32 $1.000000000e+00;
	s10 =	sadd.s32 $0xF00, s13;
	s11 =	sadd.s32 $0x1400, s13;
	s13 =	simm.s32 $0x5000  }
.LBB2_1:
0x11: {  	[tilespmem:s2], [sflag:$0x1] =	stream.linear.gather [hbm4b:s3+s2], $0x5000, $0x38;
	[tilespmem:$0x18E80] =	vst v63  }
0x12: {  	_ = 	snop  }
0x13: {  	[tilespmem:s13], [sflag:$0x2] =	stream.linear.gather [hbm4b:s4+s2], $0x2710, $0x38;
	[tilespmem:$0x18E80] =	vst v63  }
0x14: {  	_ = 	snop  }
0x15: {  	[tilespmem:s14], [sflag:$0x3] =	stream.linear.gather [hbm4b:s5+s2], $0x2710, $0x38;
	[tilespmem:$0x18E80] =	vst v63  }
0x16: {  	s28 =	simm.s32 $0x0;
	s29 =	simm.s32 $0x100  }
0x17: {  	[tilespmem:s15], [sflag:$0x4] =	stream.linear.gather [hbm4b:s6+s2], $0x2710, $0x38;
	[tilespmem:$0x18E80] =	vst v63  }
.LBB2_2:
0x18: {  	p0 =	sne.s32 s29, $0x9F00;
	[tilespmem:s28+$0x166B0] =	vst v0  }
0x19: {  	[tilespmem:s28+$0xC680] =	vst v0  }
0x1a: {  	[tilespmem:s28+$0xEE80] =	vst v0  }
0x1b: {  	[tilespmem:s28+$0x11680] =	vst v0  }
0x1c: {  	[tilespmem:s28+$0x13E80] =	vst v0  }
0x1d: {  	[tilespmem:s28+$0x16680] =	vst v0  }
0x1e: {  	[tilespmem:s28+$0xC690] =	vst v0  }
0x1f: {  	[tilespmem:s28+$0xEE90] =	vst v0  }
0x20: {  	[tilespmem:s28+$0x11690] =	vst v0  }
0x21: {  	[tilespmem:s28+$0x13E90] =	vst v0  }
0x22: {  	[tilespmem:s28+$0x16690] =	vst v0  }
0x23: {  	[tilespmem:s28+$0xC6A0] =	vst v0  }
0x24: {  	[tilespmem:s28+$0xEEA0] =	vst v0  }
0x25: {  	[tilespmem:s28+$0x116A0] =	vst v0  }
0x26: {  	[tilespmem:s28+$0x13EA0] =	vst v0  }
.Ltmp0:
0x27: {  	[tilespmem:s28+$0x166A0] =	vst v0;
	(pc) =	sbr.rel @p0 .LBB2_2-.Ltmp0, $4  }
0x28: {  	[tilespmem:s28+$0xC6B0] =	vst v0  }
0x29: {  	[tilespmem:s28+$0xEEB0] =	vst v0  }
0x2a: {  	[tilespmem:s28+$0x116B0] =	vst v0  }
0x2b: {  	[tilespmem:s28+$0x13EB0] =	vst v0;
	s28 =	sshra.s32 s29, $0x2;
	s29 =	sadd.s32 $0x100, s29  }
0x2c: {  	[tilespmem:s28+$0x166B0] =	vst v0  }
0x2d: {  	[tilespmem:s28+$0xC680] =	vst v0  }
0x2e: {  	[tilespmem:s28+$0xEE80] =	vst v0  }
0x2f: {  	[tilespmem:s28+$0x11680] =	vst v0  }
0x30: {  	[tilespmem:s28+$0x13E80] =	vst v0  }
0x31: {  	[tilespmem:s28+$0x16680] =	vst v0  }
0x32: {  	[tilespmem:s28+$0xC690] =	vst v0  }
0x33: {  	[tilespmem:s28+$0xEE90] =	vst v0  }
0x34: {  	[tilespmem:s28+$0x11690] =	vst v0  }
0x35: {  	[tilespmem:s28+$0x13E90] =	vst v0  }
0x36: {  	[tilespmem:s28+$0x16690] =	vst v0  }
0x37: {  	[tilespmem:s28+$0xC6A0] =	vst v0  }
0x38: {  	[tilespmem:s28+$0xEEA0] =	vst v0  }
0x39: {  	[tilespmem:s28+$0x116A0] =	vst v0  }
0x3a: {  	[tilespmem:s28+$0x13EA0] =	vst v0  }
0x3b: {  	[tilespmem:s28+$0x166A0] =	vst v0  }
0x3c: {  	[tilespmem:s28+$0xC6B0] =	vst v0  }
0x3d: {  	[tilespmem:s28+$0xEEB0] =	vst v0  }
0x3e: {  	[tilespmem:s28+$0x116B0] =	vst v0  }
0x3f: {  	[tilespmem:s28+$0x13EB0] =	vst v0  }
0x40: {  	_ =	swait.ge [sflag:s16], $0x5000  }
0x41: {  	[sflag:s16] =	ssyncset.done $0x0  }
0x42: {  	[sflag:s16] =	ssyncadd.s32 $0xFFFFB000  }
0x43: {  	_ =	swait.ge [sflag:s17], $0x2710  }
0x44: {  	[sflag:s17] =	ssyncset.done $0x0  }
0x45: {  	[sflag:s17] =	ssyncadd.s32 $0xFFFFD8F0  }
0x46: {  	_ =	swait.ge [sflag:s18], $0x2710  }
0x47: {  	[sflag:s18] =	ssyncset.done $0x0  }
0x48: {  	[sflag:s18] =	ssyncadd.s32 $0xFFFFD8F0  }
0x49: {  	_ =	swait.ge [sflag:s19], $0x2710  }
0x4a: {  	[sflag:s19] =	ssyncset.done $0x0  }
0x4b: {  	s29 =	simm.s32 $0x9F20;
	[sflag:s19] =	ssyncadd.s32 $0xFFFFD8F0  }
0x4c: {  	v2 =	vld [tilespmem:s29+$0xFFFFFFF0]  }
0x4d: {  	v7 =	vld [tilespmem:s29+$0x0]  }
0x4e: {  	v12 =	vld [tilespmem:s29+$0x20]  }
0x4f: {  	v11 =	vld [tilespmem:s29+$0x10]  }
0x50: {  	s28 =	simm.s32 $0x5020;
	v13 =	vld [tilespmem:s29+$0xFFFFFFE0]  }
0x51: {  	v5 =	vld [tilespmem:s28+$0x0]  }
0x52: {  	v10 =	vld [tilespmem:s28+$0xFFFFFFE0]  }
0x53: {  	v19 =	vld [tilespmem:s28+$0x20]  }
0x54: {  	v16 =	vld [tilespmem:s28+$0x10]  }
0x55: {  	s29 =	simm.s32 $0x77A0;
	v9 =	vld [tilespmem:s28+$0xFFFFFFF0]  }
0x56: {  	v4 =	vld [tilespmem:s29+$0x0]  }
0x57: {  	v6 =	vld [tilespmem:s29+$0x10]  }
0x58: {  	v3 =	vld [tilespmem:s29+$0xFFFFFFF0]  }
0x59: {  	v17 =	vld [tilespmem:s29+$0x20]  }
0x5a: {  	v8 =	vld [tilespmem:s29+$0xFFFFFFE0]  }
0x5b: {  	v23 =	vld.idx.msk [tilespmem:v10+s2+$0x0], $0xffff  }
0x5c: {  	v29 =	vld.idx.msk [tilespmem:v19+s2+$0x0], $0xffff  }
0x5d: {  	v31 =	vld.idx.msk [tilespmem:v16+s2+$0x0], $0xffff  }
0x5e: {  	v35 =	vld.idx.msk [tilespmem:v5+s2+$0x0], $0xffff  }
0x5f: {  	v26 =	vadd.s32 $0x2800, v10;
	v32 =	vld.idx.msk [tilespmem:v9+s2+$0x0], $0xffff  }
0x60: {  	v28 =	vadd.s32 $0x2800, v16;
	v14 =	vld.idx.msk [tilespmem:v4+s2+$0x0], $0xffff  }
0x61: {  	v34 =	vadd.s32 $0x2800, v19;
	v22 =	vld.idx.msk [tilespmem:v17+s2+$0x0], $0xffff  }
0x62: {  	v15 =	vadd.s32 $0x2800, v4;
	v20 =	vld.idx.msk [tilespmem:v8+s2+$0x0], $0xffff  }
0x63: {  	v27 =	vld.idx.msk [tilespmem:v6+s2+$0x0], $0xffff  }
0x64: {  	v18 =	vadd.s32 $0x2800, v3;
	v26 =	vld.idx.msk [tilespmem:v26+s2+$0x0], $0xffff  }
0x65: {  	v25 =	vadd.s32 $0x2800, v8;
	v33 =	vld.idx.msk [tilespmem:v28+s2+$0x0], $0xffff  }
0x66: {  	v24 =	vadd.s32 $0x2800, v17;
	v34 =	vld.idx.msk [tilespmem:v34+s2+$0x0], $0xffff  }
0x67: {  	v30 =	vadd.s32 $0x2800, v6;
	v21 =	vld.idx.msk [tilespmem:v15+s2+$0x0], $0xffff  }
0x68: {  	v15 =	vld.idx.msk [tilespmem:v3+s2+$0x0], $0xffff  }
0x69: {  	v36 =	vadd.s32 $0x2800, v5;
	v18 =	vld.idx.msk [tilespmem:v18+s2+$0x0], $0xffff  }
0x6a: {  	v25 =	vld.idx.msk [tilespmem:v25+s2+$0x0], $0xffff  }
0x6b: {  	v24 =	vld.idx.msk [tilespmem:v24+s2+$0x0], $0xffff  }
0x6c: {  	v28 =	vld.idx.msk [tilespmem:v30+s2+$0x0], $0xffff;
	v30 =	vadd.s32 $0x2800, v9  }
0x6d: {  	[tilespmem:v17+s20+$0x0] =	vst.idx.add.f32.msk $0xffff, v29  }
0x6e: {  	v29 =	vld.idx.msk [tilespmem:v36+s2+$0x0], $0xffff  }
0x6f: {  	s30 =	simm.s32 $0x0;
	s31 =	simm.s32 $0x9F70;
	[tilespmem:v4+s20+$0x0] =	vst.idx.add.f32.msk $0xffff, v35;
	v21 =	vmul.f32 v21, v7;
	v25 =	vmul.f32 v25, v13  }
.LBB2_4:
0x70: {  	s30 =	sadd.s32 $0x5, s30;
	[tilespmem:v6+s20+$0x0] =	vst.idx.add.f32.msk $0xffff, v31;
	s28 =	sadd.s32 $0x50, s28;
	s29 =	sadd.s32 $0x50, s29  }
0x71: {  	v31 =	vmul.f32 v33, v11;
	p0 =	slt.u32 s30, $0x26C;
	v30 =	vld.idx.msk [tilespmem:v30+s2+$0x0], $0xffff  }
0x72: {  	[tilespmem:v3+s20+$0x0] =	vst.idx.add.f32.msk $0xffff, v32;
	v32 =	vmul.f32 v34, v12  }
0x73: {  	[tilespmem:v6+s21+$0x0] =	vst.idx.add.f32.msk $0xffff, v31  }
0x74: {  	v11 =	vmul.f32 v28, v11;
	[tilespmem:v17+s21+$0x0] =	vst.idx.add.f32.msk $0xffff, v32  }
0x75: {  	[tilespmem:v19+s22+$0x0] =	vst.idx.add.f32.msk $0xffff, v22  }
0x76: {  	v12 =	vmul.f32 v24, v12;
	[tilespmem:v16+s22+$0x0] =	vst.idx.add.f32.msk $0xffff, v27  }
0x77: {  	[tilespmem:v8+s20+$0x0] =	vst.idx.add.f32.msk $0xffff, v23  }
0x78: {  	v13 =	vmul.f32 v26, v13;
	[tilespmem:v19+s23+$0x0] =	vst.idx.add.f32.msk $0xffff, v12  }
0x79: {  	v7 =	vmul.f32 v29, v7;
	[tilespmem:v17+s24+$0x0] =	vst.idx.add.f32.msk $0xffff, v1  }
0x7a: {  	[tilespmem:v8+s21+$0x0] =	vst.idx.add.f32.msk $0xffff, v13  }
0x7b: {  	v12 =	vmul.f32 v30, v2;
	[tilespmem:v10+s22+$0x0] =	vst.idx.add.f32.msk $0xffff, v20  }
0x7c: {  	[tilespmem:v4+s21+$0x0] =	vst.idx.add.f32.msk $0xffff, v7  }
0x7d: {  	[tilespmem:v3+s21+$0x0] =	vst.idx.add.f32.msk $0xffff, v12  }
0x7e: {  	[tilespmem:v16+s23+$0x0] =	vst.idx.add.f32.msk $0xffff, v11  }
0x7f: {  	[tilespmem:v10+s23+$0x0] =	vst.idx.add.f32.msk $0xffff, v25  }
0x80: {  	[tilespmem:v8+s24+$0x0] =	vst.idx.add.f32.msk $0xffff, v1  }
0x81: {  	[tilespmem:v5+s22+$0x0] =	vst.idx.add.f32.msk $0xffff, v14  }
0x82: {  	[tilespmem:v5+s23+$0x0] =	vst.idx.add.f32.msk $0xffff, v21  }
0x83: {  	v2 =	vmul.f32 v18, v2;
	[tilespmem:v6+s24+$0x0] =	vst.idx.add.f32.msk $0xffff, v1  }
0x84: {  	[tilespmem:v4+s24+$0x0] =	vst.idx.add.f32.msk $0xffff, v1  }
0x85: {  	[tilespmem:v9+s22+$0x0] =	vst.idx.add.f32.msk $0xffff, v15  }
0x86: {  	[tilespmem:v9+s23+$0x0] =	vst.idx.add.f32.msk $0xffff, v2  }
0x87: {  	[tilespmem:v3+s24+$0x0] =	vst.idx.add.f32.msk $0xffff, v1  }
0x88: {  	v2 =	vld [tilespmem:s31+$0xFFFFFFF0]  }
0x89: {  	v7 =	vld [tilespmem:s31+$0x0]  }
0x8a: {  	v12 =	vld [tilespmem:s31+$0x20]  }
0x8b: {  	v11 =	vld [tilespmem:s31+$0x10]  }
0x8c: {  	v13 =	vld [tilespmem:s31+$0xFFFFFFE0]  }
0x8d: {  	v5 =	vld [tilespmem:s28+$0x0]  }
0x8e: {  	v4 =	vld [tilespmem:s29+$0x0]  }
0x8f: {  	v6 =	vld [tilespmem:s29+$0x10]  }
0x90: {  	v3 =	vld [tilespmem:s29+$0xFFFFFFF0]  }
0x91: {  	v17 =	vld [tilespmem:s29+$0x20]  }
0x92: {  	v8 =	vld [tilespmem:s29+$0xFFFFFFE0]  }
0x93: {  	v10 =	vld [tilespmem:s28+$0xFFFFFFE0];
	v15 =	vadd.s32 $0x2800, v4  }
0x94: {  	v19 =	vld [tilespmem:s28+$0x20]  }
0x95: {  	v18 =	vadd.s32 $0x2800, v3;
	v16 =	vld [tilespmem:s28+$0x10]  }
0x96: {  	v14 =	vld.idx.msk [tilespmem:v4+s2+$0x0], $0xffff;
	v24 =	vadd.s32 $0x2800, v17  }
0x97: {  	v25 =	vadd.s32 $0x2800, v8;
	v9 =	vld [tilespmem:s28+$0xFFFFFFF0]  }
0x98: {  	v26 =	vadd.s32 $0x2800, v10;
	v21 =	vld.idx.msk [tilespmem:v15+s2+$0x0], $0xffff  }
0x99: {  	v15 =	vld.idx.msk [tilespmem:v3+s2+$0x0], $0xffff;
	v29 =	vadd.s32 $0x2800, v19  }
0x9a: {  	v28 =	vadd.s32 $0x2800, v16;
	v22 =	vld.idx.msk [tilespmem:v17+s2+$0x0], $0xffff  }
0x9b: {  	v35 =	vadd.s32 $0x2800, v5;
	v20 =	vld.idx.msk [tilespmem:v8+s2+$0x0], $0xffff  }
0x9c: {  	v30 =	vadd.s32 $0x2800, v9;
	v18 =	vld.idx.msk [tilespmem:v18+s2+$0x0], $0xffff  }
0x9d: {  	v23 =	vld.idx.msk [tilespmem:v10+s2+$0x0], $0xffff  }
0x9e: {  	v34 =	vadd.s32 $0x2800, v6;
	v21 =	vmul.f32 v21, v7;
	v24 =	vld.idx.msk [tilespmem:v24+s2+$0x0], $0xffff  }
0x9f: {  	v36 =	vld.idx.msk [tilespmem:v19+s2+$0x0], $0xffff  }
0xa0: {  	v25 =	vld.idx.msk [tilespmem:v25+s2+$0x0], $0xffff  }
0xa1: {  	v31 =	vld.idx.msk [tilespmem:v16+s2+$0x0], $0xffff  }
0xa2: {  	v37 =	vld.idx.msk [tilespmem:v5+s2+$0x0], $0xffff  }
0xa3: {  	v26 =	vld.idx.msk [tilespmem:v26+s2+$0x0], $0xffff  }
0xa4: {  	v32 =	vld.idx.msk [tilespmem:v9+s2+$0x0], $0xffff  }
0xa5: {  	v27 =	vld.idx.msk [tilespmem:v6+s2+$0x0], $0xffff  }
0xa6: {  	v33 =	vld.idx.msk [tilespmem:v28+s2+$0x0], $0xffff  }
.Ltmp1:
0xa7: {  	v28 =	vld.idx.msk [tilespmem:v34+s2+$0x0], $0xffff;
	(pc) =	sbr.rel @p0 .LBB2_4-.Ltmp1, $4  }
0xa8: {  	v25 =	vmul.f32 v25, v13;
	v34 =	vld.idx.msk [tilespmem:v29+s2+$0x0], $0xffff  }
0xa9: {  	[tilespmem:v17+s20+$0x0] =	vst.idx.add.f32.msk $0xffff, v36  }
0xaa: {  	v29 =	vld.idx.msk [tilespmem:v35+s2+$0x0], $0xffff  }
0xab: {  	s31 =	sadd.s32 $0x50, s31;
	[tilespmem:v4+s20+$0x0] =	vst.idx.add.f32.msk $0xffff, v37  }
0xac: {  	_ =	sdelay $0x3  }
0xad: {  	[tilespmem:v6+s20+$0x0] =	vst.idx.add.f32.msk $0xffff, v31  }
0xae: {  	v30 =	vld.idx.msk [tilespmem:v30+s2+$0x0], $0xffff  }
0xaf: {  	v59 =	vmul.f32 v33, v11;
	[tilespmem:v3+s20+$0x0] =	vst.idx.add.f32.msk $0xffff, v32  }
0xb0: {  	[tilespmem:v8+s20+$0x0] =	vst.idx.add.f32.msk $0xffff, v23;
	v13 =	vmul.f32 v26, v13  }
0xb1: {  	v60 =	vmul.f32 v34, v12;
	[tilespmem:v6+s21+$0x0] =	vst.idx.add.f32.msk $0xffff, v59  }
0xb2: {  	[tilespmem:v8+s21+$0x0] =	vst.idx.add.f32.msk $0xffff, v13  }
0xb3: {  	[tilespmem:v17+s21+$0x0] =	vst.idx.add.f32.msk $0xffff, v60  }
0xb4: {  	[tilespmem:v16+s22+$0x0] =	vst.idx.add.f32.msk $0xffff, v27  }
0xb5: {  	v63 =	vmul.f32 v28, v11;
	[tilespmem:v10+s22+$0x0] =	vst.idx.add.f32.msk $0xffff, v20  }
0xb6: {  	[tilespmem:v19+s22+$0x0] =	vst.idx.add.f32.msk $0xffff, v22  }
0xb7: {  	v61 =	vmul.f32 v24, v12;
	[tilespmem:v16+s23+$0x0] =	vst.idx.add.f32.msk $0xffff, v63  }
0xb8: {  	v7 =	vmul.f32 v29, v7;
	[tilespmem:v10+s23+$0x0] =	vst.idx.add.f32.msk $0xffff, v25  }
0xb9: {  	[tilespmem:v19+s23+$0x0] =	vst.idx.add.f32.msk $0xffff, v61  }
0xba: {  	[tilespmem:v4+s21+$0x0] =	vst.idx.add.f32.msk $0xffff, v7  }
0xbb: {  	[tilespmem:v8+s24+$0x0] =	vst.idx.add.f32.msk $0xffff, v1  }
0xbc: {  	[tilespmem:v6+s24+$0x0] =	vst.idx.add.f32.msk $0xffff, v1  }
0xbd: {  	v62 =	vmul.f32 v30, v2;
	[tilespmem:v17+s24+$0x0] =	vst.idx.add.f32.msk $0xffff, v1  }
0xbe: {  	[tilespmem:v5+s22+$0x0] =	vst.idx.add.f32.msk $0xffff, v14  }
0xbf: {  	[tilespmem:v3+s21+$0x0] =	vst.idx.add.f32.msk $0xffff, v62  }
0xc0: {  	[tilespmem:v5+s23+$0x0] =	vst.idx.add.f32.msk $0xffff, v21  }
0xc1: {  	v2 =	vmul.f32 v18, v2;
	[tilespmem:v4+s24+$0x0] =	vst.idx.add.f32.msk $0xffff, v1  }
0xc2: {  	[tilespmem:v9+s22+$0x0] =	vst.idx.add.f32.msk $0xffff, v15  }
0xc3: {  	[tilespmem:v9+s23+$0x0] =	vst.idx.add.f32.msk $0xffff, v2  }
0xc4: {  	[tilespmem:v3+s24+$0x0] =	vst.idx.add.f32.msk $0xffff, v1  }
0xc5: {  	[hbm4b:s7+s2] =	stream.linear.scatter [tilespmem:s20], [sflag:$0x1], $0x2800, $0x38;
	[tilespmem:$0x18E80] =	vst v63  }
0xc6: {  	_ = 	snop  }
0xc7: {  	[hbm4b:s8+s2] =	stream.linear.scatter [tilespmem:s21], [sflag:$0x2], $0x2800, $0x38;
	[tilespmem:$0x18E80] =	vst v63  }
0xc8: {  	_ = 	snop  }
0xc9: {  	[hbm4b:s9+s2] =	stream.linear.scatter [tilespmem:s22], [sflag:$0x3], $0x2800, $0x38;
	[tilespmem:$0x18E80] =	vst v63  }
0xca: {  	_ = 	snop  }
0xcb: {  	[hbm4b:s10+s2] =	stream.linear.scatter [tilespmem:s23], [sflag:$0x4], $0x2800, $0x38;
	[tilespmem:$0x18E80] =	vst v63  }
0xcc: {  	_ = 	snop  }
0xcd: {  	[hbm4b:s11+s2] =	stream.linear.scatter [tilespmem:s24], [sflag:$0x5], $0x2800, $0x38;
	[tilespmem:$0x18E80] =	vst v63  }
0xce: {  	_ =	swait.ge [sflag:s16], $0x2800  }
0xcf: {  	[sflag:s16] =	ssyncset.done $0x0  }
0xd0: {  	[sflag:s16] =	ssyncadd.s32 $0xFFFFD800  }
0xd1: {  	_ =	swait.ge [sflag:s17], $0x2800  }
0xd2: {  	[sflag:s17] =	ssyncset.done $0x0  }
0xd3: {  	[sflag:s17] =	ssyncadd.s32 $0xFFFFD800  }
0xd4: {  	_ =	swait.ge [sflag:s18], $0x2800  }
0xd5: {  	[sflag:s18] =	ssyncset.done $0x0  }
0xd6: {  	s26 =	sadd.s32 $0x1, s26;
	[sflag:s18] =	ssyncadd.s32 $0xFFFFD800  }
0xd7: {  	p0 =	sne.s32 s26, s12;
	_ =	swait.ge [sflag:s19], $0x2800  }
.Ltmp2:
0xd8: {  	[sflag:s19] =	ssyncset.done $0x0;
	(pc) =	sbr.rel @p0 .LBB2_1-.Ltmp2, $4  }
0xd9: {  	[sflag:s19] =	ssyncadd.s32 $0xFFFFD800  }
0xda: {  	_ =	swait.ge [sflag:s25], $0x2800  }
0xdb: {  	[sflag:s25] =	ssyncset.done $0x0  }
0xdc: {  	[sflag:s25] =	ssyncadd.s32 $0xFFFFD800  }
0xdd: {  	_ =	sfence.sel $0x180000  }
0xde: {  	[bflag:$0x0] =	sbarrier.arrive $0xFFFF  }
0xdf: {  	p0 =	sne.s32 s0, $0x0;
	_ =	strace $0x90000047  }
0xe0: {  	s0 =	sadd.s32 @!p0 $0x100000, s1;
	[bflag:$0x2] =	sbarrier.arrive $0xFFFF  }
0xe1: {  	[sflag:s0] =	ssyncadd.tile.s32 @!p0 $0x1;
	_ =	shalt  }
.Lfunc_end2:
_tile_overlayer_lowered:
.L_overlay_start_2:
0xe2: {  	(tag) =	ssettag $0x2  }
0xe3: {  	s0 =	rddreg [dreg:$0x0];
	s2 =	stileid.u32  }
0xe4: {  	s1 =	rddreg [dreg:$0x1];
	p0 =	sne.s32 s2, $0x0  }
0xe5: {  	s3 =	rddreg [dreg:$0x2];
	[bflag:$0x3] =	sbarrier.arrive $0xFFFF;
	s2 =	simm.s32 @!p0 $0x1C06  }
0xe6: {  	[timem:s3], [sflag:s2] =	dma.local @!p0 [hbm:s0], s1  }
0xe7: {  	s0 =	simm.s32 @!p0 $0x6  }
0xe8: {  	_ =	swait.ge @!p0 [sflag:s0], s1  }
0xe9: {  	s1 =	ssub.s32 @!p0 $0x0, s1;
	[sflag:s0] =	ssyncset.done @!p0 $0x0  }
0xea: {  	[sflag:s0] =	ssyncadd.s32 @!p0 s1  }
0xeb: {  	[bflag:$0x3] =	sbarrier.arrive $0xFFFF  }
0xec: {  	_ =	shalt  }

</sc_bundles>
